<compile_context>
chip_gen: v7x
topology: tpu7x:2x2x1
jax: 0.10.2.dev20260603
libtpu: 0.0.44.dev20260713+nightly
codegen_flags: <defaults>
</compile_context>

<pallas_src>
import functools

import jax
import jax.numpy as jnp
from jax import lax
from jax.experimental import pallas as pl
from jax.experimental.pallas import tpu as pltpu
from jax.experimental.pallas import tpu_sc as plsc

NC = 2
NS = 16
NW = NC * NS
CHUNK = 128
K = 3


def _segment_sum_sc(table, src, dst):
    n, d = table.shape
    e = src.shape[0]
    assert e % CHUNK == 0
    n_chunks = e // CHUNK
    n_iters, rem = divmod(n_chunks, K * NW)
    tail_iters = -(-rem // NW)
    piece = 128
    n_full, tail = divmod(n, piece)
    assert tail % 8 == 0

    mesh = plsc.VectorSubcoreMesh(
        core_axis_name="c", subcore_axis_name="s", num_cores=NC, num_subcores=NS
    )

    @functools.partial(
        pl.kernel,
        out_type=jax.ShapeDtypeStruct((NC, n, d), jnp.float32),
        mesh=mesh,
        scratch_types=[
            [pltpu.VMEM((CHUNK,), jnp.int32) for _ in range(K)],
            [pltpu.VMEM((CHUNK,), jnp.int32) for _ in range(K)],
            [pltpu.VMEM((CHUNK, d), jnp.float32) for _ in range(K)],
            pltpu.VMEM_SHARED((n, d), jnp.float32),
            [pltpu.SemaphoreType.DMA for _ in range(K)],
            [pltpu.SemaphoreType.DMA for _ in range(K)],
            [pltpu.SemaphoreType.DMA for _ in range(K)],
        ],
    )
    def segsum(table_hbm, src_hbm, dst_hbm, out_hbm,
               src_v, dst_v, rows_v, acc_sh, semi, semg, sems):
        c = lax.axis_index("c")
        s = lax.axis_index("s")
        w = c * NS + s

        def zbody(i, carry):
            r = i // (d // 16)
            col = (i % (d // 16)) * 16
            rows_v[0][r, pl.ds(col, 16)] = jnp.zeros((16,), jnp.float32)
            return carry

        lax.fori_loop(0, piece * (d // 16), zbody, 0)

        my_pieces = (n_full - 1 - s) // NS + 1

        def zcopy(i, carry):
            r0 = (s + i * NS) * piece
            pltpu.async_copy(rows_v[0].at[pl.ds(0, piece)],
                             acc_sh.at[pl.ds(r0, piece)], semi[0])
            return carry

        lax.fori_loop(0, my_pieces, zcopy, 0)

        def zwait(i, carry):
            pltpu.make_async_copy(rows_v[0].at[pl.ds(0, piece)],
                                  acc_sh.at[pl.ds(0, piece)], semi[0]).wait()
            return carry

        lax.fori_loop(0, my_pieces, zwait, 0)
        if tail:
            @pl.when(s == NS - 1)
            def _():
                pltpu.sync_copy(rows_v[0].at[pl.ds(0, tail)],
                                acc_sh.at[pl.ds(n_full * piece, tail)])
        plsc.subcore_barrier()

        def ebody(t, carry):
            idxd = []
            for q in range(K):
                base = (w + (K * t + q) * NW) * CHUNK
                idxd.append((
                    pltpu.async_copy(src_hbm.at[pl.ds(base, CHUNK)], src_v[q], semi[q]),
                    pltpu.async_copy(dst_hbm.at[pl.ds(base, CHUNK)], dst_v[q], semi[q]),
                ))
            gd = []
            for q in range(K):
                idxd[q][0].wait()
                idxd[q][1].wait()
                gd.append(pltpu.async_copy(table_hbm.at[src_v[q]], rows_v[q], semg[q]))
            sd = []
            for q in range(K):
                gd[q].wait()
                sd.append(pltpu.async_copy(rows_v[q], acc_sh.at[dst_v[q]],
                                           sems[q], add=True))
            for q in range(K):
                sd[q].wait()
            return carry

        lax.fori_loop(0, n_iters, ebody, 0)

        for q in range(tail_iters):
            @pl.when(w + q * NW < rem)
            def _():
                base = (K * n_iters * NW + q * NW + w) * CHUNK
                pltpu.sync_copy(src_hbm.at[pl.ds(base, CHUNK)], src_v[0])
                pltpu.sync_copy(dst_hbm.at[pl.ds(base, CHUNK)], dst_v[0])
                pltpu.async_copy(table_hbm.at[src_v[0]], rows_v[0], semg[0]).wait()
                pltpu.sync_copy(rows_v[0], acc_sh.at[dst_v[0]], add=True)
        plsc.subcore_barrier()

        def obody(i, carry):
            r0 = (s + i * NS) * piece
            pltpu.async_copy(acc_sh.at[pl.ds(r0, piece)],
                             out_hbm.at[c].at[pl.ds(r0, piece)], sems[0])
            return carry

        lax.fori_loop(0, my_pieces, obody, 0)

        def owait(i, carry):
            pltpu.make_async_copy(acc_sh.at[pl.ds(0, piece)],
                                  out_hbm.at[c].at[pl.ds(0, piece)], sems[0]).wait()
            return carry

        lax.fori_loop(0, my_pieces, owait, 0)
        if tail:
            @pl.when(s == NS - 1)
            def _():
                r0 = n_full * piece
                pltpu.sync_copy(acc_sh.at[pl.ds(r0, tail)],
                                out_hbm.at[c].at[pl.ds(r0, tail)])

    return segsum(table, src, dst)


def _dense_tc(parts, w_mu, w_rho, eps_w, b_mu, b_rho, eps_b, relu):
    _, n, d = parts.shape
    blk = 1000
    assert n % blk == 0

    def body(p_ref, wmu_ref, wrho_ref, ew_ref, bmu_ref, brho_ref, eb_ref, o_ref):
        w = wmu_ref[...] + jnp.log1p(jnp.exp(wrho_ref[...])) * ew_ref[...]
        b = bmu_ref[...] + jnp.log1p(jnp.exp(brho_ref[...])) * eb_ref[...]
        a = p_ref[0] + p_ref[1]
        y = jnp.dot(a, w, preferred_element_type=jnp.float32) + b
        o_ref[...] = jnp.maximum(y, 0.0) if relu else y

    full = pl.BlockSpec((d, d), lambda i: (0, 0))
    vec = pl.BlockSpec((1, d), lambda i: (0, 0))
    return pl.pallas_call(
        body,
        grid=(n // blk,),
        in_specs=[
            pl.BlockSpec((2, blk, d), lambda i: (0, i, 0)),
            full, full, full, vec, vec, vec,
        ],
        out_specs=pl.BlockSpec((blk, d), lambda i: (i, 0)),
        out_shape=jax.ShapeDtypeStruct((n, d), jnp.float32),
    )(parts, w_mu, w_rho, eps_w,
      b_mu.reshape(1, d), b_rho.reshape(1, d), eps_b.reshape(1, d))


def kernel(x, edge_index, W1_mu, W1_rho, b1_mu, b1_rho, W2_mu, W2_rho, b2_mu, b2_rho):
    k = jax.random.key(42)
    k1, k2 = jax.random.split(k)
    kW1, kb1 = jax.random.split(k1)
    kW2, kb2 = jax.random.split(k2)
    eps_W1 = jax.random.normal(kW1, W1_mu.shape, W1_mu.dtype)
    eps_b1 = jax.random.normal(kb1, b1_mu.shape, b1_mu.dtype)
    eps_W2 = jax.random.normal(kW2, W2_mu.shape, W2_mu.dtype)
    eps_b2 = jax.random.normal(kb2, b2_mu.shape, b2_mu.dtype)

    src = edge_index[0]
    dst = edge_index[1]

    p1 = _segment_sum_sc(x, src, dst)
    h = _dense_tc(p1, W1_mu, W1_rho, eps_W1, b1_mu, b1_rho, eps_b1, relu=True)
    p2 = _segment_sum_sc(h, src, dst)
    return _dense_tc(p2, W2_mu, W2_rho, eps_W2, b2_mu, b2_rho, eps_b2, relu=False)

# --- scband reference (transcript-rebuilt; emitter-appended) ---
"""Pipeline reference for scband-bayesian-gnn-25786983645404 (READ-ONLY COPY).

The authoritative reference and input builder live on the scoring server;
editing this copy changes nothing except your own understanding.
"""

import jax, jax.numpy as jnp
import numpy as np

N = 10000
E = 320000
D_IN = 128
D_HID = 128
D_OUT = 128


def setup_inputs(seed: int = 0) -> dict:
    key = jax.random.key(seed)
    ks = jax.random.split(key, 8)
    x = jax.random.normal(ks[0], (N, D_IN), dtype=jnp.float32)
    edge_index = jax.random.randint(ks[1], (2, E), 0, N, dtype=jnp.int32)
    # Bayesian layer parameters: weight mean (mu) and raw stddev (rho, softplus-parameterized)
    W1_mu = jax.random.normal(ks[2], (D_IN, D_HID), dtype=jnp.float32) * 0.1
    W1_rho = jnp.full((D_IN, D_HID), -5.0, dtype=jnp.float32)
    b1_mu = jnp.zeros((D_HID,), dtype=jnp.float32)
    b1_rho = jnp.full((D_HID,), -5.0, dtype=jnp.float32)
    W2_mu = jax.random.normal(ks[3], (D_HID, D_OUT), dtype=jnp.float32) * 0.1
    W2_rho = jnp.full((D_HID, D_OUT), -5.0, dtype=jnp.float32)
    b2_mu = jnp.zeros((D_OUT,), dtype=jnp.float32)
    b2_rho = jnp.full((D_OUT,), -5.0, dtype=jnp.float32)
    return {
        "x": x,
        "edge_index": edge_index,
        "W1_mu": W1_mu, "W1_rho": W1_rho, "b1_mu": b1_mu, "b1_rho": b1_rho,
        "W2_mu": W2_mu, "W2_rho": W2_rho, "b2_mu": b2_mu, "b2_rho": b2_rho,
    }


def _bayes_conv(x, edge_index, W_mu, W_rho, b_mu, b_rho, key):
    # Sample weights via reparameterization: W = mu + softplus(rho) * eps
    kW, kb = jax.random.split(key)
    W = W_mu + jnp.log1p(jnp.exp(W_rho)) * jax.random.normal(kW, W_mu.shape, dtype=W_mu.dtype)
    b = b_mu + jnp.log1p(jnp.exp(b_rho)) * jax.random.normal(kb, b_mu.shape, dtype=b_mu.dtype)
    src = edge_index[0]
    dst = edge_index[1]
    # message passing: gather source features, scatter-add to destination nodes
    agg = jax.ops.segment_sum(x[src], dst, num_segments=x.shape[0])
    return agg @ W + b


def reference(x, edge_index, W1_mu, W1_rho, b1_mu, b1_rho, W2_mu, W2_rho, b2_mu, b2_rho):
    k = jax.random.key(42)
    k1, k2 = jax.random.split(k)
    h = _bayes_conv(x, edge_index, W1_mu, W1_rho, b1_mu, b1_rho, k1)
    h = jax.nn.relu(h)
    # F.dropout(p=0.5, training=self.training) is identity in eval mode
    out = _bayes_conv(h, edge_index, W2_mu, W2_rho, b2_mu, b2_rho, k2)
    return out

if __name__ == "__main__":
    import jax
    _d = setup_inputs()
    print(jax.jit(kernel)(*tuple(_d.values())))

</pallas_src>

<mosaic_0001>
#map = affine_map<(d0, d1) -> (0, 0)>
#map1 = affine_map<(d0, d1) -> (0)>
#map2 = affine_map<(d0, d1) -> (0, 0, 0)>
module attributes {stable_mosaic.version = 14 : i64} {
  func.func @segsum(%arg0: i32, %arg1: i32, %arg2: memref<10000x128xf32, #tpu.memory_space<hbm>>, %arg3: memref<320000xi32, #tpu.memory_space<hbm>>, %arg4: memref<320000xi32, #tpu.memory_space<hbm>>, %arg5: memref<2x10000x128xf32, #tpu.memory_space<hbm>>, %arg6: memref<128xi32, #tpu.memory_space<vmem>>, %arg7: memref<128xi32, #tpu.memory_space<vmem>>, %arg8: memref<128xi32, #tpu.memory_space<vmem>>, %arg9: memref<128xi32, #tpu.memory_space<vmem>>, %arg10: memref<128xi32, #tpu.memory_space<vmem>>, %arg11: memref<128xi32, #tpu.memory_space<vmem>>, %arg12: memref<128x128xf32, #tpu.memory_space<vmem>>, %arg13: memref<128x128xf32, #tpu.memory_space<vmem>>, %arg14: memref<128x128xf32, #tpu.memory_space<vmem>>, %arg15: memref<10000x128xf32, #tpu.memory_space<vmem_shared>>, %arg16: memref<!tpu.dma_semaphore, #tpu.memory_space<semaphore_mem>>, %arg17: memref<!tpu.dma_semaphore, #tpu.memory_space<semaphore_mem>>, %arg18: memref<!tpu.dma_semaphore, #tpu.memory_space<semaphore_mem>>, %arg19: memref<!tpu.dma_semaphore, #tpu.memory_space<semaphore_mem>>, %arg20: memref<!tpu.dma_semaphore, #tpu.memory_space<semaphore_mem>>, %arg21: memref<!tpu.dma_semaphore, #tpu.memory_space<semaphore_mem>>, %arg22: memref<!tpu.dma_semaphore, #tpu.memory_space<semaphore_mem>>, %arg23: memref<!tpu.dma_semaphore, #tpu.memory_space<semaphore_mem>>, %arg24: memref<!tpu.dma_semaphore, #tpu.memory_space<semaphore_mem>>) attributes {dimension_semantics = [#tpu.dimension_semantics<core_parallel>, #tpu.dimension_semantics<subcore_parallel>], iteration_bounds = array<i64: 2, 16>, scalar_prefetch = 0 : i64, scratch_operands = 19 : i64, tpu.core_type = #tpu.core_type<sc_vector_subcore>, window_params = [{transform_indices = #map}, {transform_indices = #map1}, {transform_indices = #map1}, {transform_indices = #map2}]} {
    %mul3A = arith.constant 16 : i32
    %mul3A_0 = arith.muli %arg0, %mul3A : i32
    %add3A = arith.addi %mul3A_0, %arg1 : i32
    %scan3A = arith.constant 0 : i32
    %scan3A_1 = arith.constant 0 : i32
    %scan3A_2 = arith.constant 1024 : i32
    %scan3A_3 = arith.addi %scan3A_1, %scan3A_2 : i32
    %scan3A_4 = arith.constant 1 : i32
    scf.for %scan3A_85 = %scan3A_1 to %scan3A_3 step %scan3A_4  : i32 {
      %jit3A_86 = arith.constant 8 : i32
      %div3A_87 = arith.divsi %scan3A_85, %jit3A_86 : i32
      %sign3A_88 = arith.constant 0 : i32
      %sign3A_89 = arith.cmpi sgt, %scan3A_85, %sign3A_88 : i32
      %sign3A_90 = arith.extui %sign3A_89 : i1 to i32
      %sign3A_91 = arith.constant 0 : i32
      %sign3A_92 = arith.cmpi slt, %scan3A_85, %sign3A_91 : i32
      %sign3A_93 = arith.extui %sign3A_92 : i1 to i32
      %sign3A_94 = arith.subi %sign3A_90, %sign3A_93 : i32
      %sign3A_95 = arith.constant 0 : i32
      %sign3A_96 = arith.cmpi sgt, %jit3A_86, %sign3A_95 : i32
      %sign3A_97 = arith.extui %sign3A_96 : i1 to i32
      %sign3A_98 = arith.constant 0 : i32
      %sign3A_99 = arith.cmpi slt, %jit3A_86, %sign3A_98 : i32
      %sign3A_100 = arith.extui %sign3A_99 : i1 to i32
      %sign3A_101 = arith.subi %sign3A_97, %sign3A_100 : i32
      %ne3A_102 = arith.cmpi ne, %sign3A_94, %sign3A_101 : i32
      %rem3A_103 = arith.remsi %scan3A_85, %jit3A_86 : i32
      %ne3A_104 = arith.constant 0 : i32
      %ne3A_105 = arith.cmpi ne, %rem3A_103, %ne3A_104 : i32
      %and3A_106 = arith.andi %ne3A_102, %ne3A_105 : i1
      %sub3A_107 = arith.constant 1 : i32
      %sub3A_108 = arith.subi %div3A_87, %sub3A_107 : i32
      %select_n3A_109 = arith.select %and3A_106, %sub3A_108, %div3A_87 : i32
      %jit3A_110 = arith.constant 8 : i32
      %eq3A_111 = arith.constant 0 : i32
      %eq3A_112 = arith.cmpi eq, %jit3A_110, %eq3A_111 : i32
      %jit3A_113 = arith.constant 1 : i32
      %select_n3A_114 = arith.select %eq3A_112, %jit3A_113, %jit3A_110 : i32
      %rem3A_115 = arith.remsi %scan3A_85, %select_n3A_114 : i32
      %ne3A_116 = arith.constant 0 : i32
      %ne3A_117 = arith.cmpi ne, %rem3A_115, %ne3A_116 : i32
      %lt3A_118 = arith.constant 0 : i32
      %lt3A_119 = arith.cmpi slt, %rem3A_115, %lt3A_118 : i32
      %lt3A_120 = arith.constant 0 : i32
      %lt3A_121 = arith.cmpi slt, %select_n3A_114, %lt3A_120 : i32
      %ne3A_122 = arith.xori %lt3A_119, %lt3A_121 : i1
      %and3A_123 = arith.andi %ne3A_122, %ne3A_117 : i1
      %add3A_124 = arith.addi %rem3A_115, %select_n3A_114 : i32
      %select_n3A_125 = arith.select %and3A_123, %add3A_124, %rem3A_115 : i32
      %mul3A_126 = arith.constant 16 : i32
      %mul3A_127 = arith.muli %select_n3A_125, %mul3A_126 : i32
      %broadcast_in_dim3A = arith.constant 0.000000e+00 : f32
      %broadcast_in_dim3A_128 = vector.broadcast %broadcast_in_dim3A : f32 to vector<16xf32>
      %swap3A = arith.index_cast %select_n3A_109 : i32 to index
      %swap3A_129 = arith.index_cast %mul3A_127 : i32 to index
      %swap3A_130 = tpu.vector_load %arg12[%swap3A, %swap3A_129] {strides = array<i32>} : memref<128x128xf32, #tpu.memory_space<vmem>>, vector<1x16xf32>,
      %swap3A_131 = vector.shape_cast %swap3A_130 : vector<1x16xf32> to vector<16xf32>
      %swap3A_132 = vector.shape_cast %broadcast_in_dim3A_128 : vector<16xf32> to vector<1x16xf32>
      tpu.vector_store %arg12[%swap3A, %swap3A_129], %swap3A_132 {strides = array<i32>} : memref<128x128xf32, #tpu.memory_space<vmem>>, vector<1x16xf32>,
    }
    %scan3A_5 = arith.constant 1024 : i32
    %sub3A = arith.constant 77 : i32
    %sub3A_6 = arith.subi %sub3A, %arg1 : i32
    %jit3A = arith.constant 16 : i32
    %div3A = arith.divsi %sub3A_6, %jit3A : i32
    %sign3A = arith.constant 0 : i32
    %sign3A_7 = arith.cmpi sgt, %sub3A_6, %sign3A : i32
    %sign3A_8 = arith.extui %sign3A_7 : i1 to i32
    %sign3A_9 = arith.constant 0 : i32
    %sign3A_10 = arith.cmpi slt, %sub3A_6, %sign3A_9 : i32
    %sign3A_11 = arith.extui %sign3A_10 : i1 to i32
    %sign3A_12 = arith.subi %sign3A_8, %sign3A_11 : i32
    %sign3A_13 = arith.constant 0 : i32
    %sign3A_14 = arith.cmpi sgt, %jit3A, %sign3A_13 : i32
    %sign3A_15 = arith.extui %sign3A_14 : i1 to i32
    %sign3A_16 = arith.constant 0 : i32
    %sign3A_17 = arith.cmpi slt, %jit3A, %sign3A_16 : i32
    %sign3A_18 = arith.extui %sign3A_17 : i1 to i32
    %sign3A_19 = arith.subi %sign3A_15, %sign3A_18 : i32
    %ne3A = arith.cmpi ne, %sign3A_12, %sign3A_19 : i32
    %rem3A = arith.remsi %sub3A_6, %jit3A : i32
    %ne3A_20 = arith.constant 0 : i32
    %ne3A_21 = arith.cmpi ne, %rem3A, %ne3A_20 : i32
    %and3A = arith.andi %ne3A, %ne3A_21 : i1
    %sub3A_22 = arith.constant 1 : i32
    %sub3A_23 = arith.subi %div3A, %sub3A_22 : i32
    %select_n3A = arith.select %and3A, %sub3A_23, %div3A : i32
    %add3A_24 = arith.constant 1 : i32
    %add3A_25 = arith.addi %select_n3A, %add3A_24 : i32
    %while3A = arith.constant 0 : i32
    %while3A_26 = arith.constant 0 : i32
    %while3A_27 = arith.subi %add3A_25, %while3A_26 : i32
    %while3A_28 = arith.addi %while3A_26, %while3A_27 : i32
    %while3A_29 = arith.constant 1 : i32
    %while3A_30 = arith.divsi %while3A_27, %while3A_29 : i32
    %while3A_31 = arith.muli %while3A_30, %while3A_29 : i32
    %while3A_32 = arith.addi %while3A_26, %while3A_31 : i32
    %while3A_33 = arith.constant 1 : i32
    scf.for %while3A_85 = %while3A_26 to %while3A_32 step %while3A_33  : i32 {
      %mul3A_86 = arith.constant 16 : i32
      %mul3A_87 = arith.muli %while3A_85, %mul3A_86 : i32
      %add3A_88 = arith.addi %arg1, %mul3A_87 : i32
      %mul3A_89 = arith.constant 128 : i32
      %mul3A_90 = arith.muli %add3A_88, %mul3A_89 : i32
      %dma_start3A = arith.constant 0 : i32
      %dma_start3A_91 = arith.constant 0 : i32
      %dma_start3A_92 = tpu.memref_slice %arg12[%dma_start3A, %dma_start3A_91] : memref<128x128xf32, #tpu.memory_space<vmem>> -> memref<128x128xf32, #tpu.memory_space<vmem>>
      %dma_start3A_93 = arith.constant 0 : i32
      %dma_start3A_94 = tpu.memref_slice %arg15[%mul3A_90, %dma_start3A_93] : memref<10000x128xf32, #tpu.memory_space<vmem_shared>> -> memref<128x128xf32, #tpu.memory_space<vmem_shared>>
      %dma_start3A_95 = arith.constant 0 : i32
      %dma_start3A_96 = tpu.memref_slice %arg15[%mul3A_90, %dma_start3A_95] : memref<10000x128xf32, #tpu.memory_space<vmem_shared>> -> memref<128x128xf32, #tpu.memory_space<vmem_shared>>
      %dma_start3A_97 = arith.constant 0 : i32
      %dma_start3A_98 = arith.constant 0 : i32
      %dma_start3A_99 = tpu.memref_slice %arg12[%dma_start3A_97, %dma_start3A_98] : memref<128x128xf32, #tpu.memory_space<vmem>> -> memref<128x128xf32, #tpu.memory_space<vmem>>
      tpu.enqueue_dma source(%dma_start3A_99 : memref<128x128xf32, #tpu.memory_space<vmem>>) target(%dma_start3A_96 : memref<128x128xf32, #tpu.memory_space<vmem_shared>>) target_semaphore(%arg16 : memref<!tpu.dma_semaphore, #tpu.memory_space<semaphore_mem>>)
    }
    %while3A_34 = arith.constant 1 : i32
    scf.for %while3A_85 = %while3A_32 to %while3A_28 step %while3A_34  : i32 {
      %mul3A_86 = arith.constant 16 : i32
      %mul3A_87 = arith.muli %while3A_85, %mul3A_86 : i32
      %add3A_88 = arith.addi %arg1, %mul3A_87 : i32
      %mul3A_89 = arith.constant 128 : i32
      %mul3A_90 = arith.muli %add3A_88, %mul3A_89 : i32
      %dma_start3A = arith.constant 0 : i32
      %dma_start3A_91 = arith.constant 0 : i32
      %dma_start3A_92 = tpu.memref_slice %arg12[%dma_start3A, %dma_start3A_91] : memref<128x128xf32, #tpu.memory_space<vmem>> -> memref<128x128xf32, #tpu.memory_space<vmem>>
      %dma_start3A_93 = arith.constant 0 : i32
      %dma_start3A_94 = tpu.memref_slice %arg15[%mul3A_90, %dma_start3A_93] : memref<10000x128xf32, #tpu.memory_space<vmem_shared>> -> memref<128x128xf32, #tpu.memory_space<vmem_shared>>
      %dma_start3A_95 = arith.constant 0 : i32
      %dma_start3A_96 = tpu.memref_slice %arg15[%mul3A_90, %dma_start3A_95] : memref<10000x128xf32, #tpu.memory_space<vmem_shared>> -> memref<128x128xf32, #tpu.memory_space<vmem_shared>>
      %dma_start3A_97 = arith.constant 0 : i32
      %dma_start3A_98 = arith.constant 0 : i32
      %dma_start3A_99 = tpu.memref_slice %arg12[%dma_start3A_97, %dma_start3A_98] : memref<128x128xf32, #tpu.memory_space<vmem>> -> memref<128x128xf32, #tpu.memory_space<vmem>>
      tpu.enqueue_dma source(%dma_start3A_99 : memref<128x128xf32, #tpu.memory_space<vmem>>) target(%dma_start3A_96 : memref<128x128xf32, #tpu.memory_space<vmem_shared>>) target_semaphore(%arg16 : memref<!tpu.dma_semaphore, #tpu.memory_space<semaphore_mem>>)
    }
    %while3A_35 = arith.constant 0 : i32
    %while3A_36 = arith.constant 0 : i32
    %while3A_37 = arith.subi %add3A_25, %while3A_36 : i32
    %while3A_38 = arith.addi %while3A_36, %while3A_37 : i32
    %while3A_39 = arith.constant 1 : i32
    %while3A_40 = arith.divsi %while3A_37, %while3A_39 : i32
    %while3A_41 = arith.muli %while3A_40, %while3A_39 : i32
    %while3A_42 = arith.addi %while3A_36, %while3A_41 : i32
    %while3A_43 = arith.constant 1 : i32
    scf.for %while3A_85 = %while3A_36 to %while3A_42 step %while3A_43  : i32 {
      %dma_wait3A = arith.constant 0 : i32
      %dma_wait3A_86 = arith.constant 0 : i32
      %dma_wait3A_87 = tpu.memref_slice %arg12[%dma_wait3A, %dma_wait3A_86] : memref<128x128xf32, #tpu.memory_space<vmem>> -> memref<128x128xf32, #tpu.memory_space<vmem>>
      %dma_wait3A_88 = arith.constant 0 : i32
      %dma_wait3A_89 = arith.constant 0 : i32
      %dma_wait3A_90 = tpu.memref_slice %arg15[%dma_wait3A_88, %dma_wait3A_89] : memref<10000x128xf32, #tpu.memory_space<vmem_shared>> -> memref<128x128xf32, #tpu.memory_space<vmem_shared>>
      %dma_wait3A_91 = arith.constant 0 : i32
      %dma_wait3A_92 = arith.constant 0 : i32
      %dma_wait3A_93 = tpu.memref_slice %arg15[%dma_wait3A_91, %dma_wait3A_92] : memref<10000x128xf32, #tpu.memory_space<vmem_shared>> -> memref<128x128xf32, #tpu.memory_space<vmem_shared>>
      %dma_wait3A_94 = arith.constant 0 : i32
      %dma_wait3A_95 = arith.constant 0 : i32
      %dma_wait3A_96 = tpu.memref_slice %arg12[%dma_wait3A_94, %dma_wait3A_95] : memref<128x128xf32, #tpu.memory_space<vmem>> -> memref<128x128xf32, #tpu.memory_space<vmem>>
      tpu.wait_dma2 semaphore(%arg16 : memref<!tpu.dma_semaphore, #tpu.memory_space<semaphore_mem>>) src(%dma_wait3A_96 : memref<128x128xf32, #tpu.memory_space<vmem>>) dst(%dma_wait3A_93 : memref<128x128xf32, #tpu.memory_space<vmem_shared>>)
    }
    %while3A_44 = arith.constant 1 : i32
    scf.for %while3A_85 = %while3A_42 to %while3A_38 step %while3A_44  : i32 {
      %dma_wait3A = arith.constant 0 : i32
      %dma_wait3A_86 = arith.constant 0 : i32
      %dma_wait3A_87 = tpu.memref_slice %arg12[%dma_wait3A, %dma_wait3A_86] : memref<128x128xf32, #tpu.memory_space<vmem>> -> memref<128x128xf32, #tpu.memory_space<vmem>>
      %dma_wait3A_88 = arith.constant 0 : i32
      %dma_wait3A_89 = arith.constant 0 : i32
      %dma_wait3A_90 = tpu.memref_slice %arg15[%dma_wait3A_88, %dma_wait3A_89] : memref<10000x128xf32, #tpu.memory_space<vmem_shared>> -> memref<128x128xf32, #tpu.memory_space<vmem_shared>>
      %dma_wait3A_91 = arith.constant 0 : i32
      %dma_wait3A_92 = arith.constant 0 : i32
      %dma_wait3A_93 = tpu.memref_slice %arg15[%dma_wait3A_91, %dma_wait3A_92] : memref<10000x128xf32, #tpu.memory_space<vmem_shared>> -> memref<128x128xf32, #tpu.memory_space<vmem_shared>>
      %dma_wait3A_94 = arith.constant 0 : i32
      %dma_wait3A_95 = arith.constant 0 : i32
      %dma_wait3A_96 = tpu.memref_slice %arg12[%dma_wait3A_94, %dma_wait3A_95] : memref<128x128xf32, #tpu.memory_space<vmem>> -> memref<128x128xf32, #tpu.memory_space<vmem>>
      tpu.wait_dma2 semaphore(%arg16 : memref<!tpu.dma_semaphore, #tpu.memory_space<semaphore_mem>>) src(%dma_wait3A_96 : memref<128x128xf32, #tpu.memory_space<vmem>>) dst(%dma_wait3A_93 : memref<128x128xf32, #tpu.memory_space<vmem_shared>>)
    }
    %eq3A = arith.constant 15 : i32
    %eq3A_45 = arith.cmpi eq, %arg1, %eq3A : i32
    %convert_element_type3A = arith.extui %eq3A_45 : i1 to i32
    %cond3A = arith.constant 0 : i32
    %cond3A_46 = arith.cmpi ne, %convert_element_type3A, %cond3A : i32
    scf.if %cond3A_46 {
      "tpu.region"() ({
        %run_scoped3A = tpu.sem_alloc : memref<!tpu.dma_semaphore, #tpu.memory_space<semaphore_mem>>
        %dma_start3A = arith.constant 0 : i32
        %dma_start3A_85 = arith.constant 0 : i32
        %dma_start3A_86 = tpu.memref_slice %arg12[%dma_start3A, %dma_start3A_85] : memref<128x128xf32, #tpu.memory_space<vmem>> -> memref<16x128xf32, #tpu.memory_space<vmem>>
        %dma_start3A_87 = arith.constant 9984 : i32
        %dma_start3A_88 = arith.constant 0 : i32
        %dma_start3A_89 = tpu.memref_slice %arg15[%dma_start3A_87, %dma_start3A_88] : memref<10000x128xf32, #tpu.memory_space<vmem_shared>> -> memref<16x128xf32, #tpu.memory_space<vmem_shared>>
        %dma_start3A_90 = arith.constant 9984 : i32
        %dma_start3A_91 = arith.constant 0 : i32
        %dma_start3A_92 = tpu.memref_slice %arg15[%dma_start3A_90, %dma_start3A_91] : memref<10000x128xf32, #tpu.memory_space<vmem_shared>> -> memref<16x128xf32, #tpu.memory_space<vmem_shared>>
        %dma_start3A_93 = arith.constant 0 : i32
        %dma_start3A_94 = arith.constant 0 : i32
        %dma_start3A_95 = tpu.memref_slice %arg12[%dma_start3A_93, %dma_start3A_94] : memref<128x128xf32, #tpu.memory_space<vmem>> -> memref<16x128xf32, #tpu.memory_space<vmem>>
        tpu.enqueue_dma source(%dma_start3A_95 : memref<16x128xf32, #tpu.memory_space<vmem>>) target(%dma_start3A_92 : memref<16x128xf32, #tpu.memory_space<vmem_shared>>) target_semaphore(%run_scoped3A : memref<!tpu.dma_semaphore, #tpu.memory_space<semaphore_mem>>)
        %dma_wait3A = arith.constant 0 : i32
        %dma_wait3A_96 = arith.constant 0 : i32
        %dma_wait3A_97 = tpu.memref_slice %arg12[%dma_wait3A, %dma_wait3A_96] : memref<128x128xf32, #tpu.memory_space<vmem>> -> memref<16x128xf32, #tpu.memory_space<vmem>>
        %dma_wait3A_98 = arith.constant 9984 : i32
        %dma_wait3A_99 = arith.constant 0 : i32
        %dma_wait3A_100 = tpu.memref_slice %arg15[%dma_wait3A_98, %dma_wait3A_99] : memref<10000x128xf32, #tpu.memory_space<vmem_shared>> -> memref<16x128xf32, #tpu.memory_space<vmem_shared>>
        %dma_wait3A_101 = arith.constant 9984 : i32
        %dma_wait3A_102 = arith.constant 0 : i32
        %dma_wait3A_103 = tpu.memref_slice %arg15[%dma_wait3A_101, %dma_wait3A_102] : memref<10000x128xf32, #tpu.memory_space<vmem_shared>> -> memref<16x128xf32, #tpu.memory_space<vmem_shared>>
        %dma_wait3A_104 = arith.constant 0 : i32
        %dma_wait3A_105 = arith.constant 0 : i32
        %dma_wait3A_106 = tpu.memref_slice %arg12[%dma_wait3A_104, %dma_wait3A_105] : memref<128x128xf32, #tpu.memory_space<vmem>> -> memref<16x128xf32, #tpu.memory_space<vmem>>
        tpu.wait_dma2 semaphore(%run_scoped3A : memref<!tpu.dma_semaphore, #tpu.memory_space<semaphore_mem>>) src(%dma_wait3A_106 : memref<16x128xf32, #tpu.memory_space<vmem>>) dst(%dma_wait3A_103 : memref<16x128xf32, #tpu.memory_space<vmem_shared>>)
        tpu.yield
      }) : () -> ()
    } else {
    }
    %barrier3A = arith.constant 0 : index
    tpu.barrier barrier_id(%barrier3A)
    %scan3A_47 = arith.constant 0 : i32
    %scan3A_48 = arith.constant 0 : i32
    %scan3A_49 = arith.constant 26 : i32
    %scan3A_50 = arith.addi %scan3A_48, %scan3A_49 : i32
    %scan3A_51 = arith.constant 1 : i32
    scf.for %scan3A_85 = %scan3A_48 to %scan3A_50 step %scan3A_51  : i32 {
      %mul3A_86 = arith.constant 3 : i32
      %mul3A_87 = arith.muli %mul3A_86, %scan3A_85 : i32
      %add3A_88 = arith.constant 0 : i32
      %add3A_89 = arith.addi %mul3A_87, %add3A_88 : i32
      %mul3A_90 = arith.constant 32 : i32
      %mul3A_91 = arith.muli %add3A_89, %mul3A_90 : i32
      %add3A_92 = arith.addi %add3A, %mul3A_91 : i32
      %mul3A_93 = arith.constant 128 : i32
      %mul3A_94 = arith.muli %add3A_92, %mul3A_93 : i32
      %dma_start3A = tpu.memref_slice %arg3[%mul3A_94] : memref<320000xi32, #tpu.memory_space<hbm>> -> memref<128xi32, #tpu.memory_space<hbm>>
      %dma_start3A_95 = tpu.memref_slice %arg3[%mul3A_94] : memref<320000xi32, #tpu.memory_space<hbm>> -> memref<128xi32, #tpu.memory_space<hbm>>
      tpu.enqueue_dma source(%dma_start3A_95 : memref<128xi32, #tpu.memory_space<hbm>>) target(%arg6 : memref<128xi32, #tpu.memory_space<vmem>>) target_semaphore(%arg16 : memref<!tpu.dma_semaphore, #tpu.memory_space<semaphore_mem>>)
      %dma_start3A_96 = tpu.memref_slice %arg4[%mul3A_94] : memref<320000xi32, #tpu.memory_space<hbm>> -> memref<128xi32, #tpu.memory_space<hbm>>
      %dma_start3A_97 = tpu.memref_slice %arg4[%mul3A_94] : memref<320000xi32, #tpu.memory_space<hbm>> -> memref<128xi32, #tpu.memory_space<hbm>>
      tpu.enqueue_dma source(%dma_start3A_97 : memref<128xi32, #tpu.memory_space<hbm>>) target(%arg9 : memref<128xi32, #tpu.memory_space<vmem>>) target_semaphore(%arg16 : memref<!tpu.dma_semaphore, #tpu.memory_space<semaphore_mem>>)
      %mul3A_98 = arith.constant 3 : i32
      %mul3A_99 = arith.muli %mul3A_98, %scan3A_85 : i32
      %add3A_100 = arith.constant 1 : i32
      %add3A_101 = arith.addi %mul3A_99, %add3A_100 : i32
      %mul3A_102 = arith.constant 32 : i32
      %mul3A_103 = arith.muli %add3A_101, %mul3A_102 : i32
      %add3A_104 = arith.addi %add3A, %mul3A_103 : i32
      %mul3A_105 = arith.constant 128 : i32
      %mul3A_106 = arith.muli %add3A_104, %mul3A_105 : i32
      %dma_start3A_107 = tpu.memref_slice %arg3[%mul3A_106] : memref<320000xi32, #tpu.memory_space<hbm>> -> memref<128xi32, #tpu.memory_space<hbm>>
      %dma_start3A_108 = tpu.memref_slice %arg3[%mul3A_106] : memref<320000xi32, #tpu.memory_space<hbm>> -> memref<128xi32, #tpu.memory_space<hbm>>
      tpu.enqueue_dma source(%dma_start3A_108 : memref<128xi32, #tpu.memory_space<hbm>>) target(%arg7 : memref<128xi32, #tpu.memory_space<vmem>>) target_semaphore(%arg17 : memref<!tpu.dma_semaphore, #tpu.memory_space<semaphore_mem>>)
      %dma_start3A_109 = tpu.memref_slice %arg4[%mul3A_106] : memref<320000xi32, #tpu.memory_space<hbm>> -> memref<128xi32, #tpu.memory_space<hbm>>
      %dma_start3A_110 = tpu.memref_slice %arg4[%mul3A_106] : memref<320000xi32, #tpu.memory_space<hbm>> -> memref<128xi32, #tpu.memory_space<hbm>>
      tpu.enqueue_dma source(%dma_start3A_110 : memref<128xi32, #tpu.memory_space<hbm>>) target(%arg10 : memref<128xi32, #tpu.memory_space<vmem>>) target_semaphore(%arg17 : memref<!tpu.dma_semaphore, #tpu.memory_space<semaphore_mem>>)
      %mul3A_111 = arith.constant 3 : i32
      %mul3A_112 = arith.muli %mul3A_111, %scan3A_85 : i32
      %add3A_113 = arith.constant 2 : i32
      %add3A_114 = arith.addi %mul3A_112, %add3A_113 : i32
      %mul3A_115 = arith.constant 32 : i32
      %mul3A_116 = arith.muli %add3A_114, %mul3A_115 : i32
      %add3A_117 = arith.addi %add3A, %mul3A_116 : i32
      %mul3A_118 = arith.constant 128 : i32
      %mul3A_119 = arith.muli %add3A_117, %mul3A_118 : i32
      %dma_start3A_120 = tpu.memref_slice %arg3[%mul3A_119] : memref<320000xi32, #tpu.memory_space<hbm>> -> memref<128xi32, #tpu.memory_space<hbm>>
      %dma_start3A_121 = tpu.memref_slice %arg3[%mul3A_119] : memref<320000xi32, #tpu.memory_space<hbm>> -> memref<128xi32, #tpu.memory_space<hbm>>
      tpu.enqueue_dma source(%dma_start3A_121 : memref<128xi32, #tpu.memory_space<hbm>>) target(%arg8 : memref<128xi32, #tpu.memory_space<vmem>>) target_semaphore(%arg18 : memref<!tpu.dma_semaphore, #tpu.memory_space<semaphore_mem>>)
      %dma_start3A_122 = tpu.memref_slice %arg4[%mul3A_119] : memref<320000xi32, #tpu.memory_space<hbm>> -> memref<128xi32, #tpu.memory_space<hbm>>
      %dma_start3A_123 = tpu.memref_slice %arg4[%mul3A_119] : memref<320000xi32, #tpu.memory_space<hbm>> -> memref<128xi32, #tpu.memory_space<hbm>>
      tpu.enqueue_dma source(%dma_start3A_123 : memref<128xi32, #tpu.memory_space<hbm>>) target(%arg11 : memref<128xi32, #tpu.memory_space<vmem>>) target_semaphore(%arg18 : memref<!tpu.dma_semaphore, #tpu.memory_space<semaphore_mem>>)
      %dma_wait3A = tpu.memref_slice %arg3[%mul3A_94] : memref<320000xi32, #tpu.memory_space<hbm>> -> memref<128xi32, #tpu.memory_space<hbm>>
      %dma_wait3A_124 = tpu.memref_slice %arg3[%mul3A_94] : memref<320000xi32, #tpu.memory_space<hbm>> -> memref<128xi32, #tpu.memory_space<hbm>>
      tpu.wait_dma2 semaphore(%arg16 : memref<!tpu.dma_semaphore, #tpu.memory_space<semaphore_mem>>) src(%dma_wait3A_124 : memref<128xi32, #tpu.memory_space<hbm>>) dst(%arg6 : memref<128xi32, #tpu.memory_space<vmem>>)
      %dma_wait3A_125 = tpu.memref_slice %arg4[%mul3A_94] : memref<320000xi32, #tpu.memory_space<hbm>> -> memref<128xi32, #tpu.memory_space<hbm>>
      %dma_wait3A_126 = tpu.memref_slice %arg4[%mul3A_94] : memref<320000xi32, #tpu.memory_space<hbm>> -> memref<128xi32, #tpu.memory_space<hbm>>
      tpu.wait_dma2 semaphore(%arg16 : memref<!tpu.dma_semaphore, #tpu.memory_space<semaphore_mem>>) src(%dma_wait3A_126 : memref<128xi32, #tpu.memory_space<hbm>>) dst(%arg9 : memref<128xi32, #tpu.memory_space<vmem>>)
      %dma_start3A_127 = arith.constant 0 : i32
      %dma_start3A_128 = arith.constant 0 : i32
      %dma_start3A_129 = tpu.memref_slice %arg2[%dma_start3A_127, %dma_start3A_128] : memref<10000x128xf32, #tpu.memory_space<hbm>> -> memref<10000x128xf32, #tpu.memory_space<hbm>>
      tpu.enqueue_indirect_dma source(%dma_start3A_129 : memref<10000x128xf32, #tpu.memory_space<hbm>>) target(%arg12 : memref<128x128xf32, #tpu.memory_space<vmem>>) offsets(%arg6 : memref<128xi32, #tpu.memory_space<vmem>>) semaphore(%arg19 : memref<!tpu.dma_semaphore, #tpu.memory_space<semaphore_mem>>)
      %dma_wait3A_130 = tpu.memref_slice %arg3[%mul3A_106] : memref<320000xi32, #tpu.memory_space<hbm>> -> memref<128xi32, #tpu.memory_space<hbm>>
      %dma_wait3A_131 = tpu.memref_slice %arg3[%mul3A_106] : memref<320000xi32, #tpu.memory_space<hbm>> -> memref<128xi32, #tpu.memory_space<hbm>>
      tpu.wait_dma2 semaphore(%arg17 : memref<!tpu.dma_semaphore, #tpu.memory_space<semaphore_mem>>) src(%dma_wait3A_131 : memref<128xi32, #tpu.memory_space<hbm>>) dst(%arg7 : memref<128xi32, #tpu.memory_space<vmem>>)
      %dma_wait3A_132 = tpu.memref_slice %arg4[%mul3A_106] : memref<320000xi32, #tpu.memory_space<hbm>> -> memref<128xi32, #tpu.memory_space<hbm>>
      %dma_wait3A_133 = tpu.memref_slice %arg4[%mul3A_106] : memref<320000xi32, #tpu.memory_space<hbm>> -> memref<128xi32, #tpu.memory_space<hbm>>
      tpu.wait_dma2 semaphore(%arg17 : memref<!tpu.dma_semaphore, #tpu.memory_space<semaphore_mem>>) src(%dma_wait3A_133 : memref<128xi32, #tpu.memory_space<hbm>>) dst(%arg10 : memref<128xi32, #tpu.memory_space<vmem>>)
      %dma_start3A_134 = arith.constant 0 : i32
      %dma_start3A_135 = arith.constant 0 : i32
      %dma_start3A_136 = tpu.memref_slice %arg2[%dma_start3A_134, %dma_start3A_135] : memref<10000x128xf32, #tpu.memory_space<hbm>> -> memref<10000x128xf32, #tpu.memory_space<hbm>>
      tpu.enqueue_indirect_dma source(%dma_start3A_136 : memref<10000x128xf32, #tpu.memory_space<hbm>>) target(%arg13 : memref<128x128xf32, #tpu.memory_space<vmem>>) offsets(%arg7 : memref<128xi32, #tpu.memory_space<vmem>>) semaphore(%arg20 : memref<!tpu.dma_semaphore, #tpu.memory_space<semaphore_mem>>)
      %dma_wait3A_137 = tpu.memref_slice %arg3[%mul3A_119] : memref<320000xi32, #tpu.memory_space<hbm>> -> memref<128xi32, #tpu.memory_space<hbm>>
      %dma_wait3A_138 = tpu.memref_slice %arg3[%mul3A_119] : memref<320000xi32, #tpu.memory_space<hbm>> -> memref<128xi32, #tpu.memory_space<hbm>>
      tpu.wait_dma2 semaphore(%arg18 : memref<!tpu.dma_semaphore, #tpu.memory_space<semaphore_mem>>) src(%dma_wait3A_138 : memref<128xi32, #tpu.memory_space<hbm>>) dst(%arg8 : memref<128xi32, #tpu.memory_space<vmem>>)
      %dma_wait3A_139 = tpu.memref_slice %arg4[%mul3A_119] : memref<320000xi32, #tpu.memory_space<hbm>> -> memref<128xi32, #tpu.memory_space<hbm>>
      %dma_wait3A_140 = tpu.memref_slice %arg4[%mul3A_119] : memref<320000xi32, #tpu.memory_space<hbm>> -> memref<128xi32, #tpu.memory_space<hbm>>
      tpu.wait_dma2 semaphore(%arg18 : memref<!tpu.dma_semaphore, #tpu.memory_space<semaphore_mem>>) src(%dma_wait3A_140 : memref<128xi32, #tpu.memory_space<hbm>>) dst(%arg11 : memref<128xi32, #tpu.memory_space<vmem>>)
      %dma_start3A_141 = arith.constant 0 : i32
      %dma_start3A_142 = arith.constant 0 : i32
      %dma_start3A_143 = tpu.memref_slice %arg2[%dma_start3A_141, %dma_start3A_142] : memref<10000x128xf32, #tpu.memory_space<hbm>> -> memref<10000x128xf32, #tpu.memory_space<hbm>>
      tpu.enqueue_indirect_dma source(%dma_start3A_143 : memref<10000x128xf32, #tpu.memory_space<hbm>>) target(%arg14 : memref<128x128xf32, #tpu.memory_space<vmem>>) offsets(%arg8 : memref<128xi32, #tpu.memory_space<vmem>>) semaphore(%arg21 : memref<!tpu.dma_semaphore, #tpu.memory_space<semaphore_mem>>)
      %dma_wait3A_144 = arith.constant 0 : i32
      %dma_wait3A_145 = arith.constant 0 : i32
      %dma_wait3A_146 = tpu.memref_slice %arg2[%dma_wait3A_144, %dma_wait3A_145] : memref<10000x128xf32, #tpu.memory_space<hbm>> -> memref<10000x128xf32, #tpu.memory_space<hbm>>
      tpu.wait_indirect_dma semaphore(%arg19 : memref<!tpu.dma_semaphore, #tpu.memory_space<semaphore_mem>>) src(%dma_wait3A_146 : memref<10000x128xf32, #tpu.memory_space<hbm>>) dst(%arg12 : memref<128x128xf32, #tpu.memory_space<vmem>>)
      %dma_start3A_147 = arith.constant 0 : i32
      %dma_start3A_148 = arith.constant 0 : i32
      %dma_start3A_149 = tpu.memref_slice %arg15[%dma_start3A_147, %dma_start3A_148] : memref<10000x128xf32, #tpu.memory_space<vmem_shared>> -> memref<10000x128xf32, #tpu.memory_space<vmem_shared>>
      tpu.enqueue_indirect_dma source(%arg12 : memref<128x128xf32, #tpu.memory_space<vmem>>) target(%dma_start3A_149 : memref<10000x128xf32, #tpu.memory_space<vmem_shared>>) offsets(%arg9 : memref<128xi32, #tpu.memory_space<vmem>>) semaphore(%arg22 : memref<!tpu.dma_semaphore, #tpu.memory_space<semaphore_mem>>) {add = true}
      %dma_wait3A_150 = arith.constant 0 : i32
      %dma_wait3A_151 = arith.constant 0 : i32
      %dma_wait3A_152 = tpu.memref_slice %arg2[%dma_wait3A_150, %dma_wait3A_151] : memref<10000x128xf32, #tpu.memory_space<hbm>> -> memref<10000x128xf32, #tpu.memory_space<hbm>>
      tpu.wait_indirect_dma semaphore(%arg20 : memref<!tpu.dma_semaphore, #tpu.memory_space<semaphore_mem>>) src(%dma_wait3A_152 : memref<10000x128xf32, #tpu.memory_space<hbm>>) dst(%arg13 : memref<128x128xf32, #tpu.memory_space<vmem>>)
      %dma_start3A_153 = arith.constant 0 : i32
      %dma_start3A_154 = arith.constant 0 : i32
      %dma_start3A_155 = tpu.memref_slice %arg15[%dma_start3A_153, %dma_start3A_154] : memref<10000x128xf32, #tpu.memory_space<vmem_shared>> -> memref<10000x128xf32, #tpu.memory_space<vmem_shared>>
      tpu.enqueue_indirect_dma source(%arg13 : memref<128x128xf32, #tpu.memory_space<vmem>>) target(%dma_start3A_155 : memref<10000x128xf32, #tpu.memory_space<vmem_shared>>) offsets(%arg10 : memref<128xi32, #tpu.memory_space<vmem>>) semaphore(%arg23 : memref<!tpu.dma_semaphore, #tpu.memory_space<semaphore_mem>>) {add = true}
      %dma_wait3A_156 = arith.constant 0 : i32
      %dma_wait3A_157 = arith.constant 0 : i32
      %dma_wait3A_158 = tpu.memref_slice %arg2[%dma_wait3A_156, %dma_wait3A_157] : memref<10000x128xf32, #tpu.memory_space<hbm>> -> memref<10000x128xf32, #tpu.memory_space<hbm>>
      tpu.wait_indirect_dma semaphore(%arg21 : memref<!tpu.dma_semaphore, #tpu.memory_space<semaphore_mem>>) src(%dma_wait3A_158 : memref<10000x128xf32, #tpu.memory_space<hbm>>) dst(%arg14 : memref<128x128xf32, #tpu.memory_space<vmem>>)
      %dma_start3A_159 = arith.constant 0 : i32
      %dma_start3A_160 = arith.constant 0 : i32
      %dma_start3A_161 = tpu.memref_slice %arg15[%dma_start3A_159, %dma_start3A_160] : memref<10000x128xf32, #tpu.memory_space<vmem_shared>> -> memref<10000x128xf32, #tpu.memory_space<vmem_shared>>
      tpu.enqueue_indirect_dma source(%arg14 : memref<128x128xf32, #tpu.memory_space<vmem>>) target(%dma_start3A_161 : memref<10000x128xf32, #tpu.memory_space<vmem_shared>>) offsets(%arg11 : memref<128xi32, #tpu.memory_space<vmem>>) semaphore(%arg24 : memref<!tpu.dma_semaphore, #tpu.memory_space<semaphore_mem>>) {add = true}
      %dma_wait3A_162 = arith.constant 0 : i32
      %dma_wait3A_163 = arith.constant 0 : i32
      %dma_wait3A_164 = tpu.memref_slice %arg15[%dma_wait3A_162, %dma_wait3A_163] : memref<10000x128xf32, #tpu.memory_space<vmem_shared>> -> memref<10000x128xf32, #tpu.memory_space<vmem_shared>>
      tpu.wait_indirect_dma semaphore(%arg22 : memref<!tpu.dma_semaphore, #tpu.memory_space<semaphore_mem>>) src(%arg12 : memref<128x128xf32, #tpu.memory_space<vmem>>) dst(%dma_wait3A_164 : memref<10000x128xf32, #tpu.memory_space<vmem_shared>>)
      %dma_wait3A_165 = arith.constant 0 : i32
      %dma_wait3A_166 = arith.constant 0 : i32
      %dma_wait3A_167 = tpu.memref_slice %arg15[%dma_wait3A_165, %dma_wait3A_166] : memref<10000x128xf32, #tpu.memory_space<vmem_shared>> -> memref<10000x128xf32, #tpu.memory_space<vmem_shared>>
      tpu.wait_indirect_dma semaphore(%arg23 : memref<!tpu.dma_semaphore, #tpu.memory_space<semaphore_mem>>) src(%arg13 : memref<128x128xf32, #tpu.memory_space<vmem>>) dst(%dma_wait3A_167 : memref<10000x128xf32, #tpu.memory_space<vmem_shared>>)
      %dma_wait3A_168 = arith.constant 0 : i32
      %dma_wait3A_169 = arith.constant 0 : i32
      %dma_wait3A_170 = tpu.memref_slice %arg15[%dma_wait3A_168, %dma_wait3A_169] : memref<10000x128xf32, #tpu.memory_space<vmem_shared>> -> memref<10000x128xf32, #tpu.memory_space<vmem_shared>>
      tpu.wait_indirect_dma semaphore(%arg24 : memref<!tpu.dma_semaphore, #tpu.memory_space<semaphore_mem>>) src(%arg14 : memref<128x128xf32, #tpu.memory_space<vmem>>) dst(%dma_wait3A_170 : memref<10000x128xf32, #tpu.memory_space<vmem_shared>>)
    }
    %scan3A_52 = arith.constant 26 : i32
    %add3A_53 = arith.constant 0 : i32
    %add3A_54 = arith.addi %add3A, %add3A_53 : i32
    %lt3A = arith.constant 4 : i32
    %lt3A_55 = arith.cmpi slt, %add3A_54, %lt3A : i32
    %convert_element_type3A_56 = arith.extui %lt3A_55 : i1 to i32
    %cond3A_57 = arith.constant 0 : i32
    %cond3A_58 = arith.cmpi ne, %convert_element_type3A_56, %cond3A_57 : i32
    scf.if %cond3A_58 {
      %add3A_85 = arith.constant 2496 : i32
      %add3A_86 = arith.addi %add3A_85, %add3A : i32
      %mul3A_87 = arith.constant 128 : i32
      %mul3A_88 = arith.muli %add3A_86, %mul3A_87 : i32
      "tpu.region"() ({
        %run_scoped3A = tpu.sem_alloc : memref<!tpu.dma_semaphore, #tpu.memory_space<semaphore_mem>>
        %dma_start3A_93 = tpu.memref_slice %arg3[%mul3A_88] : memref<320000xi32, #tpu.memory_space<hbm>> -> memref<128xi32, #tpu.memory_space<hbm>>
        %dma_start3A_94 = tpu.memref_slice %arg3[%mul3A_88] : memref<320000xi32, #tpu.memory_space<hbm>> -> memref<128xi32, #tpu.memory_space<hbm>>
        tpu.enqueue_dma source(%dma_start3A_94 : memref<128xi32, #tpu.memory_space<hbm>>) target(%arg6 : memref<128xi32, #tpu.memory_space<vmem>>) target_semaphore(%run_scoped3A : memref<!tpu.dma_semaphore, #tpu.memory_space<semaphore_mem>>)
        %dma_wait3A_95 = tpu.memref_slice %arg3[%mul3A_88] : memref<320000xi32, #tpu.memory_space<hbm>> -> memref<128xi32, #tpu.memory_space<hbm>>
        %dma_wait3A_96 = tpu.memref_slice %arg3[%mul3A_88] : memref<320000xi32, #tpu.memory_space<hbm>> -> memref<128xi32, #tpu.memory_space<hbm>>
        tpu.wait_dma2 semaphore(%run_scoped3A : memref<!tpu.dma_semaphore, #tpu.memory_space<semaphore_mem>>) src(%dma_wait3A_96 : memref<128xi32, #tpu.memory_space<hbm>>) dst(%arg6 : memref<128xi32, #tpu.memory_space<vmem>>)
        tpu.yield
      }) : () -> ()
      "tpu.region"() ({
        %run_scoped3A = tpu.sem_alloc : memref<!tpu.dma_semaphore, #tpu.memory_space<semaphore_mem>>
        %dma_start3A_93 = tpu.memref_slice %arg4[%mul3A_88] : memref<320000xi32, #tpu.memory_space<hbm>> -> memref<128xi32, #tpu.memory_space<hbm>>
        %dma_start3A_94 = tpu.memref_slice %arg4[%mul3A_88] : memref<320000xi32, #tpu.memory_space<hbm>> -> memref<128xi32, #tpu.memory_space<hbm>>
        tpu.enqueue_dma source(%dma_start3A_94 : memref<128xi32, #tpu.memory_space<hbm>>) target(%arg9 : memref<128xi32, #tpu.memory_space<vmem>>) target_semaphore(%run_scoped3A : memref<!tpu.dma_semaphore, #tpu.memory_space<semaphore_mem>>)
        %dma_wait3A_95 = tpu.memref_slice %arg4[%mul3A_88] : memref<320000xi32, #tpu.memory_space<hbm>> -> memref<128xi32, #tpu.memory_space<hbm>>
        %dma_wait3A_96 = tpu.memref_slice %arg4[%mul3A_88] : memref<320000xi32, #tpu.memory_space<hbm>> -> memref<128xi32, #tpu.memory_space<hbm>>
        tpu.wait_dma2 semaphore(%run_scoped3A : memref<!tpu.dma_semaphore, #tpu.memory_space<semaphore_mem>>) src(%dma_wait3A_96 : memref<128xi32, #tpu.memory_space<hbm>>) dst(%arg9 : memref<128xi32, #tpu.memory_space<vmem>>)
        tpu.yield
      }) : () -> ()
      %dma_start3A = arith.constant 0 : i32
      %dma_start3A_89 = arith.constant 0 : i32
      %dma_start3A_90 = tpu.memref_slice %arg2[%dma_start3A, %dma_start3A_89] : memref<10000x128xf32, #tpu.memory_space<hbm>> -> memref<10000x128xf32, #tpu.memory_space<hbm>>
      tpu.enqueue_indirect_dma source(%dma_start3A_90 : memref<10000x128xf32, #tpu.memory_space<hbm>>) target(%arg12 : memref<128x128xf32, #tpu.memory_space<vmem>>) offsets(%arg6 : memref<128xi32, #tpu.memory_space<vmem>>) semaphore(%arg19 : memref<!tpu.dma_semaphore, #tpu.memory_space<semaphore_mem>>)
      %dma_wait3A = arith.constant 0 : i32
      %dma_wait3A_91 = arith.constant 0 : i32
      %dma_wait3A_92 = tpu.memref_slice %arg2[%dma_wait3A, %dma_wait3A_91] : memref<10000x128xf32, #tpu.memory_space<hbm>> -> memref<10000x128xf32, #tpu.memory_space<hbm>>
      tpu.wait_indirect_dma semaphore(%arg19 : memref<!tpu.dma_semaphore, #tpu.memory_space<semaphore_mem>>) src(%dma_wait3A_92 : memref<10000x128xf32, #tpu.memory_space<hbm>>) dst(%arg12 : memref<128x128xf32, #tpu.memory_space<vmem>>)
      "tpu.region"() ({
        %run_scoped3A = tpu.sem_alloc : memref<!tpu.dma_semaphore, #tpu.memory_space<semaphore_mem>>
        %dma_start3A_93 = arith.constant 0 : i32
        %dma_start3A_94 = arith.constant 0 : i32
        %dma_start3A_95 = tpu.memref_slice %arg15[%dma_start3A_93, %dma_start3A_94] : memref<10000x128xf32, #tpu.memory_space<vmem_shared>> -> memref<10000x128xf32, #tpu.memory_space<vmem_shared>>
        tpu.enqueue_indirect_dma source(%arg12 : memref<128x128xf32, #tpu.memory_space<vmem>>) target(%dma_start3A_95 : memref<10000x128xf32, #tpu.memory_space<vmem_shared>>) offsets(%arg9 : memref<128xi32, #tpu.memory_space<vmem>>) semaphore(%run_scoped3A : memref<!tpu.dma_semaphore, #tpu.memory_space<semaphore_mem>>) {add = true}
        %dma_wait3A_96 = arith.constant 0 : i32
        %dma_wait3A_97 = arith.constant 0 : i32
        %dma_wait3A_98 = tpu.memref_slice %arg15[%dma_wait3A_96, %dma_wait3A_97] : memref<10000x128xf32, #tpu.memory_space<vmem_shared>> -> memref<10000x128xf32, #tpu.memory_space<vmem_shared>>
        tpu.wait_indirect_dma semaphore(%run_scoped3A : memref<!tpu.dma_semaphore, #tpu.memory_space<semaphore_mem>>) src(%arg12 : memref<128x128xf32, #tpu.memory_space<vmem>>) dst(%dma_wait3A_98 : memref<10000x128xf32, #tpu.memory_space<vmem_shared>>)
        tpu.yield
      }) : () -> ()
    } else {
    }
    %barrier3A_59 = arith.constant 0 : index
    tpu.barrier barrier_id(%barrier3A_59)
    %while3A_60 = arith.constant 0 : i32
    %while3A_61 = arith.constant 0 : i32
    %while3A_62 = arith.subi %add3A_25, %while3A_61 : i32
    %while3A_63 = arith.addi %while3A_61, %while3A_62 : i32
    %while3A_64 = arith.constant 1 : i32
    %while3A_65 = arith.divsi %while3A_62, %while3A_64 : i32
    %while3A_66 = arith.muli %while3A_65, %while3A_64 : i32
    %while3A_67 = arith.addi %while3A_61, %while3A_66 : i32
    %while3A_68 = arith.constant 1 : i32
    scf.for %while3A_85 = %while3A_61 to %while3A_67 step %while3A_68  : i32 {
      %mul3A_86 = arith.constant 16 : i32
      %mul3A_87 = arith.muli %while3A_85, %mul3A_86 : i32
      %add3A_88 = arith.addi %arg1, %mul3A_87 : i32
      %mul3A_89 = arith.constant 128 : i32
      %mul3A_90 = arith.muli %add3A_88, %mul3A_89 : i32
      %dma_start3A = arith.constant 0 : i32
      %dma_start3A_91 = arith.constant 0 : i32
      %dma_start3A_92 = tpu.memref_slice %arg5[%arg0, %dma_start3A, %dma_start3A_91] : memref<2x10000x128xf32, #tpu.memory_space<hbm>> -> memref<1x10000x128xf32, #tpu.memory_space<hbm>>
      %dma_start3A_93 = tpu.memref_squeeze %dma_start3A_92 : memref<1x10000x128xf32, #tpu.memory_space<hbm>> -> memref<10000x128xf32, #tpu.memory_space<hbm>>
      %dma_start3A_94 = arith.constant 0 : i32
      %dma_start3A_95 = tpu.memref_slice %dma_start3A_93[%mul3A_90, %dma_start3A_94] : memref<10000x128xf32, #tpu.memory_space<hbm>> -> memref<128x128xf32, #tpu.memory_space<hbm>>
      %dma_start3A_96 = arith.constant 0 : i32
      %dma_start3A_97 = tpu.memref_slice %arg15[%mul3A_90, %dma_start3A_96] : memref<10000x128xf32, #tpu.memory_space<vmem_shared>> -> memref<128x128xf32, #tpu.memory_space<vmem_shared>>
      tpu.enqueue_dma source(%dma_start3A_97 : memref<128x128xf32, #tpu.memory_space<vmem_shared>>) target(%dma_start3A_95 : memref<128x128xf32, #tpu.memory_space<hbm>>) target_semaphore(%arg22 : memref<!tpu.dma_semaphore, #tpu.memory_space<semaphore_mem>>)
    }
    %while3A_69 = arith.constant 1 : i32
    scf.for %while3A_85 = %while3A_67 to %while3A_63 step %while3A_69  : i32 {
      %mul3A_86 = arith.constant 16 : i32
      %mul3A_87 = arith.muli %while3A_85, %mul3A_86 : i32
      %add3A_88 = arith.addi %arg1, %mul3A_87 : i32
      %mul3A_89 = arith.constant 128 : i32
      %mul3A_90 = arith.muli %add3A_88, %mul3A_89 : i32
      %dma_start3A = arith.constant 0 : i32
      %dma_start3A_91 = arith.constant 0 : i32
      %dma_start3A_92 = tpu.memref_slice %arg5[%arg0, %dma_start3A, %dma_start3A_91] : memref<2x10000x128xf32, #tpu.memory_space<hbm>> -> memref<1x10000x128xf32, #tpu.memory_space<hbm>>
      %dma_start3A_93 = tpu.memref_squeeze %dma_start3A_92 : memref<1x10000x128xf32, #tpu.memory_space<hbm>> -> memref<10000x128xf32, #tpu.memory_space<hbm>>
      %dma_start3A_94 = arith.constant 0 : i32
      %dma_start3A_95 = tpu.memref_slice %dma_start3A_93[%mul3A_90, %dma_start3A_94] : memref<10000x128xf32, #tpu.memory_space<hbm>> -> memref<128x128xf32, #tpu.memory_space<hbm>>
      %dma_start3A_96 = arith.constant 0 : i32
      %dma_start3A_97 = tpu.memref_slice %arg15[%mul3A_90, %dma_start3A_96] : memref<10000x128xf32, #tpu.memory_space<vmem_shared>> -> memref<128x128xf32, #tpu.memory_space<vmem_shared>>
      tpu.enqueue_dma source(%dma_start3A_97 : memref<128x128xf32, #tpu.memory_space<vmem_shared>>) target(%dma_start3A_95 : memref<128x128xf32, #tpu.memory_space<hbm>>) target_semaphore(%arg22 : memref<!tpu.dma_semaphore, #tpu.memory_space<semaphore_mem>>)
    }
    %while3A_70 = arith.constant 0 : i32
    %while3A_71 = arith.constant 0 : i32
    %while3A_72 = arith.subi %add3A_25, %while3A_71 : i32
    %while3A_73 = arith.addi %while3A_71, %while3A_72 : i32
    %while3A_74 = arith.constant 1 : i32
    %while3A_75 = arith.divsi %while3A_72, %while3A_74 : i32
    %while3A_76 = arith.muli %while3A_75, %while3A_74 : i32
    %while3A_77 = arith.addi %while3A_71, %while3A_76 : i32
    %while3A_78 = arith.constant 1 : i32
    scf.for %while3A_85 = %while3A_71 to %while3A_77 step %while3A_78  : i32 {
      %dma_wait3A = arith.constant 0 : i32
      %dma_wait3A_86 = arith.constant 0 : i32
      %dma_wait3A_87 = tpu.memref_slice %arg5[%arg0, %dma_wait3A, %dma_wait3A_86] : memref<2x10000x128xf32, #tpu.memory_space<hbm>> -> memref<1x10000x128xf32, #tpu.memory_space<hbm>>
      %dma_wait3A_88 = tpu.memref_squeeze %dma_wait3A_87 : memref<1x10000x128xf32, #tpu.memory_space<hbm>> -> memref<10000x128xf32, #tpu.memory_space<hbm>>
      %dma_wait3A_89 = arith.constant 0 : i32
      %dma_wait3A_90 = arith.constant 0 : i32
      %dma_wait3A_91 = tpu.memref_slice %dma_wait3A_88[%dma_wait3A_89, %dma_wait3A_90] : memref<10000x128xf32, #tpu.memory_space<hbm>> -> memref<128x128xf32, #tpu.memory_space<hbm>>
      %dma_wait3A_92 = arith.constant 0 : i32
      %dma_wait3A_93 = arith.constant 0 : i32
      %dma_wait3A_94 = tpu.memref_slice %arg15[%dma_wait3A_92, %dma_wait3A_93] : memref<10000x128xf32, #tpu.memory_space<vmem_shared>> -> memref<128x128xf32, #tpu.memory_space<vmem_shared>>
      tpu.wait_dma2 semaphore(%arg22 : memref<!tpu.dma_semaphore, #tpu.memory_space<semaphore_mem>>) src(%dma_wait3A_94 : memref<128x128xf32, #tpu.memory_space<vmem_shared>>) dst(%dma_wait3A_91 : memref<128x128xf32, #tpu.memory_space<hbm>>)
    }
    %while3A_79 = arith.constant 1 : i32
    scf.for %while3A_85 = %while3A_77 to %while3A_73 step %while3A_79  : i32 {
      %dma_wait3A = arith.constant 0 : i32
      %dma_wait3A_86 = arith.constant 0 : i32
      %dma_wait3A_87 = tpu.memref_slice %arg5[%arg0, %dma_wait3A, %dma_wait3A_86] : memref<2x10000x128xf32, #tpu.memory_space<hbm>> -> memref<1x10000x128xf32, #tpu.memory_space<hbm>>
      %dma_wait3A_88 = tpu.memref_squeeze %dma_wait3A_87 : memref<1x10000x128xf32, #tpu.memory_space<hbm>> -> memref<10000x128xf32, #tpu.memory_space<hbm>>
      %dma_wait3A_89 = arith.constant 0 : i32
      %dma_wait3A_90 = arith.constant 0 : i32
      %dma_wait3A_91 = tpu.memref_slice %dma_wait3A_88[%dma_wait3A_89, %dma_wait3A_90] : memref<10000x128xf32, #tpu.memory_space<hbm>> -> memref<128x128xf32, #tpu.memory_space<hbm>>
      %dma_wait3A_92 = arith.constant 0 : i32
      %dma_wait3A_93 = arith.constant 0 : i32
      %dma_wait3A_94 = tpu.memref_slice %arg15[%dma_wait3A_92, %dma_wait3A_93] : memref<10000x128xf32, #tpu.memory_space<vmem_shared>> -> memref<128x128xf32, #tpu.memory_space<vmem_shared>>
      tpu.wait_dma2 semaphore(%arg22 : memref<!tpu.dma_semaphore, #tpu.memory_space<semaphore_mem>>) src(%dma_wait3A_94 : memref<128x128xf32, #tpu.memory_space<vmem_shared>>) dst(%dma_wait3A_91 : memref<128x128xf32, #tpu.memory_space<hbm>>)
    }
    %eq3A_80 = arith.constant 15 : i32
    %eq3A_81 = arith.cmpi eq, %arg1, %eq3A_80 : i32
    %convert_element_type3A_82 = arith.extui %eq3A_81 : i1 to i32
    %cond3A_83 = arith.constant 0 : i32
    %cond3A_84 = arith.cmpi ne, %convert_element_type3A_82, %cond3A_83 : i32
    scf.if %cond3A_84 {
      "tpu.region"() ({
        %run_scoped3A = tpu.sem_alloc : memref<!tpu.dma_semaphore, #tpu.memory_space<semaphore_mem>>
        %dma_start3A = arith.constant 0 : i32
        %dma_start3A_85 = arith.constant 0 : i32
        %dma_start3A_86 = tpu.memref_slice %arg5[%arg0, %dma_start3A, %dma_start3A_85] : memref<2x10000x128xf32, #tpu.memory_space<hbm>> -> memref<1x10000x128xf32, #tpu.memory_space<hbm>>
        %dma_start3A_87 = tpu.memref_squeeze %dma_start3A_86 : memref<1x10000x128xf32, #tpu.memory_space<hbm>> -> memref<10000x128xf32, #tpu.memory_space<hbm>>
        %dma_start3A_88 = arith.constant 9984 : i32
        %dma_start3A_89 = arith.constant 0 : i32
        %dma_start3A_90 = tpu.memref_slice %dma_start3A_87[%dma_start3A_88, %dma_start3A_89] : memref<10000x128xf32, #tpu.memory_space<hbm>> -> memref<16x128xf32, #tpu.memory_space<hbm>>
        %dma_start3A_91 = arith.constant 9984 : i32
        %dma_start3A_92 = arith.constant 0 : i32
        %dma_start3A_93 = tpu.memref_slice %arg15[%dma_start3A_91, %dma_start3A_92] : memref<10000x128xf32, #tpu.memory_space<vmem_shared>> -> memref<16x128xf32, #tpu.memory_space<vmem_shared>>
        tpu.enqueue_dma source(%dma_start3A_93 : memref<16x128xf32, #tpu.memory_space<vmem_shared>>) target(%dma_start3A_90 : memref<16x128xf32, #tpu.memory_space<hbm>>) target_semaphore(%run_scoped3A : memref<!tpu.dma_semaphore, #tpu.memory_space<semaphore_mem>>)
        %dma_wait3A = arith.constant 0 : i32
        %dma_wait3A_94 = arith.constant 0 : i32
        %dma_wait3A_95 = tpu.memref_slice %arg5[%arg0, %dma_wait3A, %dma_wait3A_94] : memref<2x10000x128xf32, #tpu.memory_space<hbm>> -> memref<1x10000x128xf32, #tpu.memory_space<hbm>>
        %dma_wait3A_96 = tpu.memref_squeeze %dma_wait3A_95 : memref<1x10000x128xf32, #tpu.memory_space<hbm>> -> memref<10000x128xf32, #tpu.memory_space<hbm>>
        %dma_wait3A_97 = arith.constant 9984 : i32
        %dma_wait3A_98 = arith.constant 0 : i32
        %dma_wait3A_99 = tpu.memref_slice %dma_wait3A_96[%dma_wait3A_97, %dma_wait3A_98] : memref<10000x128xf32, #tpu.memory_space<hbm>> -> memref<16x128xf32, #tpu.memory_space<hbm>>
        %dma_wait3A_100 = arith.constant 9984 : i32
        %dma_wait3A_101 = arith.constant 0 : i32
        %dma_wait3A_102 = tpu.memref_slice %arg15[%dma_wait3A_100, %dma_wait3A_101] : memref<10000x128xf32, #tpu.memory_space<vmem_shared>> -> memref<16x128xf32, #tpu.memory_space<vmem_shared>>
        tpu.wait_dma2 semaphore(%run_scoped3A : memref<!tpu.dma_semaphore, #tpu.memory_space<semaphore_mem>>) src(%dma_wait3A_102 : memref<16x128xf32, #tpu.memory_space<vmem_shared>>) dst(%dma_wait3A_99 : memref<16x128xf32, #tpu.memory_space<hbm>>)
        tpu.yield
      }) : () -> ()
    } else {
    }
    return
  }
}

#map = affine_map<(d0, d1) -> (0, 0)>
#map1 = affine_map<(d0, d1) -> (0)>
#map2 = affine_map<(d0, d1) -> (0, 0, 0)>
module attributes {stable_mosaic.version = 14 : i64} {
  func.func @segsum(%arg0: i32, %arg1: i32, %arg2: memref<10000x128xf32, #tpu.memory_space<hbm>>, %arg3: memref<320000xi32, #tpu.memory_space<hbm>>, %arg4: memref<320000xi32, #tpu.memory_space<hbm>>, %arg5: memref<2x10000x128xf32, #tpu.memory_space<hbm>>, %arg6: memref<128xi32, #tpu.memory_space<vmem>>, %arg7: memref<128xi32, #tpu.memory_space<vmem>>, %arg8: memref<128xi32, #tpu.memory_space<vmem>>, %arg9: memref<128xi32, #tpu.memory_space<vmem>>, %arg10: memref<128xi32, #tpu.memory_space<vmem>>, %arg11: memref<128xi32, #tpu.memory_space<vmem>>, %arg12: memref<128x128xf32, #tpu.memory_space<vmem>>, %arg13: memref<128x128xf32, #tpu.memory_space<vmem>>, %arg14: memref<128x128xf32, #tpu.memory_space<vmem>>, %arg15: memref<10000x128xf32, #tpu.memory_space<vmem_shared>>, %arg16: memref<!tpu.dma_semaphore, #tpu.memory_space<semaphore_mem>>, %arg17: memref<!tpu.dma_semaphore, #tpu.memory_space<semaphore_mem>>, %arg18: memref<!tpu.dma_semaphore, #tpu.memory_space<semaphore_mem>>, %arg19: memref<!tpu.dma_semaphore, #tpu.memory_space<semaphore_mem>>, %arg20: memref<!tpu.dma_semaphore, #tpu.memory_space<semaphore_mem>>, %arg21: memref<!tpu.dma_semaphore, #tpu.memory_space<semaphore_mem>>, %arg22: memref<!tpu.dma_semaphore, #tpu.memory_space<semaphore_mem>>, %arg23: memref<!tpu.dma_semaphore, #tpu.memory_space<semaphore_mem>>, %arg24: memref<!tpu.dma_semaphore, #tpu.memory_space<semaphore_mem>>) attributes {dimension_semantics = [#tpu.dimension_semantics<core_parallel>, #tpu.dimension_semantics<subcore_parallel>], iteration_bounds = array<i64: 2, 16>, scalar_prefetch = 0 : i64, scratch_operands = 19 : i64, tpu.core_type = #tpu.core_type<sc_vector_subcore>, window_params = [{transform_indices = #map}, {transform_indices = #map1}, {transform_indices = #map1}, {transform_indices = #map2}]} {
    %mul3A = arith.constant 16 : i32
    %mul3A_0 = arith.muli %arg0, %mul3A : i32
    %add3A = arith.addi %mul3A_0, %arg1 : i32
    %scan3A = arith.constant 0 : i32
    %scan3A_1 = arith.constant 0 : i32
    %scan3A_2 = arith.constant 1024 : i32
    %scan3A_3 = arith.addi %scan3A_1, %scan3A_2 : i32
    %scan3A_4 = arith.constant 1 : i32
    scf.for %scan3A_85 = %scan3A_1 to %scan3A_3 step %scan3A_4  : i32 {
      %jit3A_86 = arith.constant 8 : i32
      %div3A_87 = arith.divsi %scan3A_85, %jit3A_86 : i32
      %sign3A_88 = arith.constant 0 : i32
      %sign3A_89 = arith.cmpi sgt, %scan3A_85, %sign3A_88 : i32
      %sign3A_90 = arith.extui %sign3A_89 : i1 to i32
      %sign3A_91 = arith.constant 0 : i32
      %sign3A_92 = arith.cmpi slt, %scan3A_85, %sign3A_91 : i32
      %sign3A_93 = arith.extui %sign3A_92 : i1 to i32
      %sign3A_94 = arith.subi %sign3A_90, %sign3A_93 : i32
      %sign3A_95 = arith.constant 0 : i32
      %sign3A_96 = arith.cmpi sgt, %jit3A_86, %sign3A_95 : i32
      %sign3A_97 = arith.extui %sign3A_96 : i1 to i32
      %sign3A_98 = arith.constant 0 : i32
      %sign3A_99 = arith.cmpi slt, %jit3A_86, %sign3A_98 : i32
      %sign3A_100 = arith.extui %sign3A_99 : i1 to i32
      %sign3A_101 = arith.subi %sign3A_97, %sign3A_100 : i32
      %ne3A_102 = arith.cmpi ne, %sign3A_94, %sign3A_101 : i32
      %rem3A_103 = arith.remsi %scan3A_85, %jit3A_86 : i32
      %ne3A_104 = arith.constant 0 : i32
      %ne3A_105 = arith.cmpi ne, %rem3A_103, %ne3A_104 : i32
      %and3A_106 = arith.andi %ne3A_102, %ne3A_105 : i1
      %sub3A_107 = arith.constant 1 : i32
      %sub3A_108 = arith.subi %div3A_87, %sub3A_107 : i32
      %select_n3A_109 = arith.select %and3A_106, %sub3A_108, %div3A_87 : i32
      %jit3A_110 = arith.constant 8 : i32
      %eq3A_111 = arith.constant 0 : i32
      %eq3A_112 = arith.cmpi eq, %jit3A_110, %eq3A_111 : i32
      %jit3A_113 = arith.constant 1 : i32
      %select_n3A_114 = arith.select %eq3A_112, %jit3A_113, %jit3A_110 : i32
      %rem3A_115 = arith.remsi %scan3A_85, %select_n3A_114 : i32
      %ne3A_116 = arith.constant 0 : i32
      %ne3A_117 = arith.cmpi ne, %rem3A_115, %ne3A_116 : i32
      %lt3A_118 = arith.constant 0 : i32
      %lt3A_119 = arith.cmpi slt, %rem3A_115, %lt3A_118 : i32
      %lt3A_120 = arith.constant 0 : i32
      %lt3A_121 = arith.cmpi slt, %select_n3A_114, %lt3A_120 : i32
      %ne3A_122 = arith.xori %lt3A_119, %lt3A_121 : i1
      %and3A_123 = arith.andi %ne3A_122, %ne3A_117 : i1
      %add3A_124 = arith.addi %rem3A_115, %select_n3A_114 : i32
      %select_n3A_125 = arith.select %and3A_123, %add3A_124, %rem3A_115 : i32
      %mul3A_126 = arith.constant 16 : i32
      %mul3A_127 = arith.muli %select_n3A_125, %mul3A_126 : i32
      %broadcast_in_dim3A = arith.constant 0.000000e+00 : f32
      %broadcast_in_dim3A_128 = vector.broadcast %broadcast_in_dim3A : f32 to vector<16xf32>
      %swap3A = arith.index_cast %select_n3A_109 : i32 to index
      %swap3A_129 = arith.index_cast %mul3A_127 : i32 to index
      %swap3A_130 = tpu.vector_load %arg12[%swap3A, %swap3A_129] {strides = array<i32>} : memref<128x128xf32, #tpu.memory_space<vmem>>, vector<1x16xf32>,
      %swap3A_131 = vector.shape_cast %swap3A_130 : vector<1x16xf32> to vector<16xf32>
      %swap3A_132 = vector.shape_cast %broadcast_in_dim3A_128 : vector<16xf32> to vector<1x16xf32>
      tpu.vector_store %arg12[%swap3A, %swap3A_129], %swap3A_132 {strides = array<i32>} : memref<128x128xf32, #tpu.memory_space<vmem>>, vector<1x16xf32>,
    }
    %scan3A_5 = arith.constant 1024 : i32
    %sub3A = arith.constant 77 : i32
    %sub3A_6 = arith.subi %sub3A, %arg1 : i32
    %jit3A = arith.constant 16 : i32
    %div3A = arith.divsi %sub3A_6, %jit3A : i32
    %sign3A = arith.constant 0 : i32
    %sign3A_7 = arith.cmpi sgt, %sub3A_6, %sign3A : i32
    %sign3A_8 = arith.extui %sign3A_7 : i1 to i32
    %sign3A_9 = arith.constant 0 : i32
    %sign3A_10 = arith.cmpi slt, %sub3A_6, %sign3A_9 : i32
    %sign3A_11 = arith.extui %sign3A_10 : i1 to i32
    %sign3A_12 = arith.subi %sign3A_8, %sign3A_11 : i32
    %sign3A_13 = arith.constant 0 : i32
    %sign3A_14 = arith.cmpi sgt, %jit3A, %sign3A_13 : i32
    %sign3A_15 = arith.extui %sign3A_14 : i1 to i32
    %sign3A_16 = arith.constant 0 : i32
    %sign3A_17 = arith.cmpi slt, %jit3A, %sign3A_16 : i32
    %sign3A_18 = arith.extui %sign3A_17 : i1 to i32
    %sign3A_19 = arith.subi %sign3A_15, %sign3A_18 : i32
    %ne3A = arith.cmpi ne, %sign3A_12, %sign3A_19 : i32
    %rem3A = arith.remsi %sub3A_6, %jit3A : i32
    %ne3A_20 = arith.constant 0 : i32
    %ne3A_21 = arith.cmpi ne, %rem3A, %ne3A_20 : i32
    %and3A = arith.andi %ne3A, %ne3A_21 : i1
    %sub3A_22 = arith.constant 1 : i32
    %sub3A_23 = arith.subi %div3A, %sub3A_22 : i32
    %select_n3A = arith.select %and3A, %sub3A_23, %div3A : i32
    %add3A_24 = arith.constant 1 : i32
    %add3A_25 = arith.addi %select_n3A, %add3A_24 : i32
    %while3A = arith.constant 0 : i32
    %while3A_26 = arith.constant 0 : i32
    %while3A_27 = arith.subi %add3A_25, %while3A_26 : i32
    %while3A_28 = arith.addi %while3A_26, %while3A_27 : i32
    %while3A_29 = arith.constant 1 : i32
    %while3A_30 = arith.divsi %while3A_27, %while3A_29 : i32
    %while3A_31 = arith.muli %while3A_30, %while3A_29 : i32
    %while3A_32 = arith.addi %while3A_26, %while3A_31 : i32
    %while3A_33 = arith.constant 1 : i32
    scf.for %while3A_85 = %while3A_26 to %while3A_32 step %while3A_33  : i32 {
      %mul3A_86 = arith.constant 16 : i32
      %mul3A_87 = arith.muli %while3A_85, %mul3A_86 : i32
      %add3A_88 = arith.addi %arg1, %mul3A_87 : i32
      %mul3A_89 = arith.constant 128 : i32
      %mul3A_90 = arith.muli %add3A_88, %mul3A_89 : i32
      %dma_start3A = arith.constant 0 : i32
      %dma_start3A_91 = arith.constant 0 : i32
      %dma_start3A_92 = tpu.memref_slice %arg12[%dma_start3A, %dma_start3A_91] : memref<128x128xf32, #tpu.memory_space<vmem>> -> memref<128x128xf32, #tpu.memory_space<vmem>>
      %dma_start3A_93 = arith.constant 0 : i32
      %dma_start3A_94 = tpu.memref_slice %arg15[%mul3A_90, %dma_start3A_93] : memref<10000x128xf32, #tpu.memory_space<vmem_shared>> -> memref<128x128xf32, #tpu.memory_space<vmem_shared>>
      %dma_start3A_95 = arith.constant 0 : i32
      %dma_start3A_96 = tpu.memref_slice %arg15[%mul3A_90, %dma_start3A_95] : memref<10000x128xf32, #tpu.memory_space<vmem_shared>> -> memref<128x128xf32, #tpu.memory_space<vmem_shared>>
      %dma_start3A_97 = arith.constant 0 : i32
      %dma_start3A_98 = arith.constant 0 : i32
      %dma_start3A_99 = tpu.memref_slice %arg12[%dma_start3A_97, %dma_start3A_98] : memref<128x128xf32, #tpu.memory_space<vmem>> -> memref<128x128xf32, #tpu.memory_space<vmem>>
      tpu.enqueue_dma source(%dma_start3A_99 : memref<128x128xf32, #tpu.memory_space<vmem>>) target(%dma_start3A_96 : memref<128x128xf32, #tpu.memory_space<vmem_shared>>) target_semaphore(%arg16 : memref<!tpu.dma_semaphore, #tpu.memory_space<semaphore_mem>>)
    }
    %while3A_34 = arith.constant 1 : i32
    scf.for %while3A_85 = %while3A_32 to %while3A_28 step %while3A_34  : i32 {
      %mul3A_86 = arith.constant 16 : i32
      %mul3A_87 = arith.muli %while3A_85, %mul3A_86 : i32
      %add3A_88 = arith.addi %arg1, %mul3A_87 : i32
      %mul3A_89 = arith.constant 128 : i32
      %mul3A_90 = arith.muli %add3A_88, %mul3A_89 : i32
      %dma_start3A = arith.constant 0 : i32
      %dma_start3A_91 = arith.constant 0 : i32
      %dma_start3A_92 = tpu.memref_slice %arg12[%dma_start3A, %dma_start3A_91] : memref<128x128xf32, #tpu.memory_space<vmem>> -> memref<128x128xf32, #tpu.memory_space<vmem>>
      %dma_start3A_93 = arith.constant 0 : i32
      %dma_start3A_94 = tpu.memref_slice %arg15[%mul3A_90, %dma_start3A_93] : memref<10000x128xf32, #tpu.memory_space<vmem_shared>> -> memref<128x128xf32, #tpu.memory_space<vmem_shared>>
      %dma_start3A_95 = arith.constant 0 : i32
      %dma_start3A_96 = tpu.memref_slice %arg15[%mul3A_90, %dma_start3A_95] : memref<10000x128xf32, #tpu.memory_space<vmem_shared>> -> memref<128x128xf32, #tpu.memory_space<vmem_shared>>
      %dma_start3A_97 = arith.constant 0 : i32
      %dma_start3A_98 = arith.constant 0 : i32
      %dma_start3A_99 = tpu.memref_slice %arg12[%dma_start3A_97, %dma_start3A_98] : memref<128x128xf32, #tpu.memory_space<vmem>> -> memref<128x128xf32, #tpu.memory_space<vmem>>
      tpu.enqueue_dma source(%dma_start3A_99 : memref<128x128xf32, #tpu.memory_space<vmem>>) target(%dma_start3A_96 : memref<128x128xf32, #tpu.memory_space<vmem_shared>>) target_semaphore(%arg16 : memref<!tpu.dma_semaphore, #tpu.memory_space<semaphore_mem>>)
    }
    %while3A_35 = arith.constant 0 : i32
    %while3A_36 = arith.constant 0 : i32
    %while3A_37 = arith.subi %add3A_25, %while3A_36 : i32
    %while3A_38 = arith.addi %while3A_36, %while3A_37 : i32
    %while3A_39 = arith.constant 1 : i32
    %while3A_40 = arith.divsi %while3A_37, %while3A_39 : i32
    %while3A_41 = arith.muli %while3A_40, %while3A_39 : i32
    %while3A_42 = arith.addi %while3A_36, %while3A_41 : i32
    %while3A_43 = arith.constant 1 : i32
    scf.for %while3A_85 = %while3A_36 to %while3A_42 step %while3A_43  : i32 {
      %dma_wait3A = arith.constant 0 : i32
      %dma_wait3A_86 = arith.constant 0 : i32
      %dma_wait3A_87 = tpu.memref_slice %arg12[%dma_wait3A, %dma_wait3A_86] : memref<128x128xf32, #tpu.memory_space<vmem>> -> memref<128x128xf32, #tpu.memory_space<vmem>>
      %dma_wait3A_88 = arith.constant 0 : i32
      %dma_wait3A_89 = arith.constant 0 : i32
      %dma_wait3A_90 = tpu.memref_slice %arg15[%dma_wait3A_88, %dma_wait3A_89] : memref<10000x128xf32, #tpu.memory_space<vmem_shared>> -> memref<128x128xf32, #tpu.memory_space<vmem_shared>>
      %dma_wait3A_91 = arith.constant 0 : i32
      %dma_wait3A_92 = arith.constant 0 : i32
      %dma_wait3A_93 = tpu.memref_slice %arg15[%dma_wait3A_91, %dma_wait3A_92] : memref<10000x128xf32, #tpu.memory_space<vmem_shared>> -> memref<128x128xf32, #tpu.memory_space<vmem_shared>>
      %dma_wait3A_94 = arith.constant 0 : i32
      %dma_wait3A_95 = arith.constant 0 : i32
      %dma_wait3A_96 = tpu.memref_slice %arg12[%dma_wait3A_94, %dma_wait3A_95] : memref<128x128xf32, #tpu.memory_space<vmem>> -> memref<128x128xf32, #tpu.memory_space<vmem>>
      tpu.wait_dma2 semaphore(%arg16 : memref<!tpu.dma_semaphore, #tpu.memory_space<semaphore_mem>>) src(%dma_wait3A_96 : memref<128x128xf32, #tpu.memory_space<vmem>>) dst(%dma_wait3A_93 : memref<128x128xf32, #tpu.memory_space<vmem_shared>>)
    }
    %while3A_44 = arith.constant 1 : i32
    scf.for %while3A_85 = %while3A_42 to %while3A_38 step %while3A_44  : i32 {
      %dma_wait3A = arith.constant 0 : i32
      %dma_wait3A_86 = arith.constant 0 : i32
      %dma_wait3A_87 = tpu.memref_slice %arg12[%dma_wait3A, %dma_wait3A_86] : memref<128x128xf32, #tpu.memory_space<vmem>> -> memref<128x128xf32, #tpu.memory_space<vmem>>
      %dma_wait3A_88 = arith.constant 0 : i32
      %dma_wait3A_89 = arith.constant 0 : i32
      %dma_wait3A_90 = tpu.memref_slice %arg15[%dma_wait3A_88, %dma_wait3A_89] : memref<10000x128xf32, #tpu.memory_space<vmem_shared>> -> memref<128x128xf32, #tpu.memory_space<vmem_shared>>
      %dma_wait3A_91 = arith.constant 0 : i32
      %dma_wait3A_92 = arith.constant 0 : i32
      %dma_wait3A_93 = tpu.memref_slice %arg15[%dma_wait3A_91, %dma_wait3A_92] : memref<10000x128xf32, #tpu.memory_space<vmem_shared>> -> memref<128x128xf32, #tpu.memory_space<vmem_shared>>
      %dma_wait3A_94 = arith.constant 0 : i32
      %dma_wait3A_95 = arith.constant 0 : i32
      %dma_wait3A_96 = tpu.memref_slice %arg12[%dma_wait3A_94, %dma_wait3A_95] : memref<128x128xf32, #tpu.memory_space<vmem>> -> memref<128x128xf32, #tpu.memory_space<vmem>>
      tpu.wait_dma2 semaphore(%arg16 : memref<!tpu.dma_semaphore, #tpu.memory_space<semaphore_mem>>) src(%dma_wait3A_96 : memref<128x128xf32, #tpu.memory_space<vmem>>) dst(%dma_wait3A_93 : memref<128x128xf32, #tpu.memory_space<vmem_shared>>)
    }
    %eq3A = arith.constant 15 : i32
    %eq3A_45 = arith.cmpi eq, %arg1, %eq3A : i32
    %convert_element_type3A = arith.extui %eq3A_45 : i1 to i32
    %cond3A = arith.constant 0 : i32
    %cond3A_46 = arith.cmpi ne, %convert_element_type3A, %cond3A : i32
    scf.if %cond3A_46 {
      "tpu.region"() ({
        %run_scoped3A = tpu.sem_alloc : memref<!tpu.dma_semaphore, #tpu.memory_space<semaphore_mem>>
        %dma_start3A = arith.constant 0 : i32
        %dma_start3A_85 = arith.constant 0 : i32
        %dma_start3A_86 = tpu.memref_slice %arg12[%dma_start3A, %dma_start3A_85] : memref<128x128xf32, #tpu.memory_space<vmem>> -> memref<16x128xf32, #tpu.memory_space<vmem>>
        %dma_start3A_87 = arith.constant 9984 : i32
        %dma_start3A_88 = arith.constant 0 : i32
        %dma_start3A_89 = tpu.memref_slice %arg15[%dma_start3A_87, %dma_start3A_88] : memref<10000x128xf32, #tpu.memory_space<vmem_shared>> -> memref<16x128xf32, #tpu.memory_space<vmem_shared>>
        %dma_start3A_90 = arith.constant 9984 : i32
        %dma_start3A_91 = arith.constant 0 : i32
        %dma_start3A_92 = tpu.memref_slice %arg15[%dma_start3A_90, %dma_start3A_91] : memref<10000x128xf32, #tpu.memory_space<vmem_shared>> -> memref<16x128xf32, #tpu.memory_space<vmem_shared>>
        %dma_start3A_93 = arith.constant 0 : i32
        %dma_start3A_94 = arith.constant 0 : i32
        %dma_start3A_95 = tpu.memref_slice %arg12[%dma_start3A_93, %dma_start3A_94] : memref<128x128xf32, #tpu.memory_space<vmem>> -> memref<16x128xf32, #tpu.memory_space<vmem>>
        tpu.enqueue_dma source(%dma_start3A_95 : memref<16x128xf32, #tpu.memory_space<vmem>>) target(%dma_start3A_92 : memref<16x128xf32, #tpu.memory_space<vmem_shared>>) target_semaphore(%run_scoped3A : memref<!tpu.dma_semaphore, #tpu.memory_space<semaphore_mem>>)
        %dma_wait3A = arith.constant 0 : i32
        %dma_wait3A_96 = arith.constant 0 : i32
        %dma_wait3A_97 = tpu.memref_slice %arg12[%dma_wait3A, %dma_wait3A_96] : memref<128x128xf32, #tpu.memory_space<vmem>> -> memref<16x128xf32, #tpu.memory_space<vmem>>
        %dma_wait3A_98 = arith.constant 9984 : i32
        %dma_wait3A_99 = arith.constant 0 : i32
        %dma_wait3A_100 = tpu.memref_slice %arg15[%dma_wait3A_98, %dma_wait3A_99] : memref<10000x128xf32, #tpu.memory_space<vmem_shared>> -> memref<16x128xf32, #tpu.memory_space<vmem_shared>>
        %dma_wait3A_101 = arith.constant 9984 : i32
        %dma_wait3A_102 = arith.constant 0 : i32
        %dma_wait3A_103 = tpu.memref_slice %arg15[%dma_wait3A_101, %dma_wait3A_102] : memref<10000x128xf32, #tpu.memory_space<vmem_shared>> -> memref<16x128xf32, #tpu.memory_space<vmem_shared>>
        %dma_wait3A_104 = arith.constant 0 : i32
        %dma_wait3A_105 = arith.constant 0 : i32
        %dma_wait3A_106 = tpu.memref_slice %arg12[%dma_wait3A_104, %dma_wait3A_105] : memref<128x128xf32, #tpu.memory_space<vmem>> -> memref<16x128xf32, #tpu.memory_space<vmem>>
        tpu.wait_dma2 semaphore(%run_scoped3A : memref<!tpu.dma_semaphore, #tpu.memory_space<semaphore_mem>>) src(%dma_wait3A_106 : memref<16x128xf32, #tpu.memory_space<vmem>>) dst(%dma_wait3A_103 : memref<16x128xf32, #tpu.memory_space<vmem_shared>>)
        tpu.yield
      }) : () -> ()
    } else {
    }
    %barrier3A = arith.constant 0 : index
    tpu.barrier barrier_id(%barrier3A)
    %scan3A_47 = arith.constant 0 : i32
    %scan3A_48 = arith.constant 0 : i32
    %scan3A_49 = arith.constant 26 : i32
    %scan3A_50 = arith.addi %scan3A_48, %scan3A_49 : i32
    %scan3A_51 = arith.constant 1 : i32
    scf.for %scan3A_85 = %scan3A_48 to %scan3A_50 step %scan3A_51  : i32 {
      %mul3A_86 = arith.constant 3 : i32
      %mul3A_87 = arith.muli %mul3A_86, %scan3A_85 : i32
      %add3A_88 = arith.constant 0 : i32
      %add3A_89 = arith.addi %mul3A_87, %add3A_88 : i32
      %mul3A_90 = arith.constant 32 : i32
      %mul3A_91 = arith.muli %add3A_89, %mul3A_90 : i32
      %add3A_92 = arith.addi %add3A, %mul3A_91 : i32
      %mul3A_93 = arith.constant 128 : i32
      %mul3A_94 = arith.muli %add3A_92, %mul3A_93 : i32
      %dma_start3A = tpu.memref_slice %arg3[%mul3A_94] : memref<320000xi32, #tpu.memory_space<hbm>> -> memref<128xi32, #tpu.memory_space<hbm>>
      %dma_start3A_95 = tpu.memref_slice %arg3[%mul3A_94] : memref<320000xi32, #tpu.memory_space<hbm>> -> memref<128xi32, #tpu.memory_space<hbm>>
      tpu.enqueue_dma source(%dma_start3A_95 : memref<128xi32, #tpu.memory_space<hbm>>) target(%arg6 : memref<128xi32, #tpu.memory_space<vmem>>) target_semaphore(%arg16 : memref<!tpu.dma_semaphore, #tpu.memory_space<semaphore_mem>>)
      %dma_start3A_96 = tpu.memref_slice %arg4[%mul3A_94] : memref<320000xi32, #tpu.memory_space<hbm>> -> memref<128xi32, #tpu.memory_space<hbm>>
      %dma_start3A_97 = tpu.memref_slice %arg4[%mul3A_94] : memref<320000xi32, #tpu.memory_space<hbm>> -> memref<128xi32, #tpu.memory_space<hbm>>
      tpu.enqueue_dma source(%dma_start3A_97 : memref<128xi32, #tpu.memory_space<hbm>>) target(%arg9 : memref<128xi32, #tpu.memory_space<vmem>>) target_semaphore(%arg16 : memref<!tpu.dma_semaphore, #tpu.memory_space<semaphore_mem>>)
      %mul3A_98 = arith.constant 3 : i32
      %mul3A_99 = arith.muli %mul3A_98, %scan3A_85 : i32
      %add3A_100 = arith.constant 1 : i32
      %add3A_101 = arith.addi %mul3A_99, %add3A_100 : i32
      %mul3A_102 = arith.constant 32 : i32
      %mul3A_103 = arith.muli %add3A_101, %mul3A_102 : i32
      %add3A_104 = arith.addi %add3A, %mul3A_103 : i32
      %mul3A_105 = arith.constant 128 : i32
      %mul3A_106 = arith.muli %add3A_104, %mul3A_105 : i32
      %dma_start3A_107 = tpu.memref_slice %arg3[%mul3A_106] : memref<320000xi32, #tpu.memory_space<hbm>> -> memref<128xi32, #tpu.memory_space<hbm>>
      %dma_start3A_108 = tpu.memref_slice %arg3[%mul3A_106] : memref<320000xi32, #tpu.memory_space<hbm>> -> memref<128xi32, #tpu.memory_space<hbm>>
      tpu.enqueue_dma source(%dma_start3A_108 : memref<128xi32, #tpu.memory_space<hbm>>) target(%arg7 : memref<128xi32, #tpu.memory_space<vmem>>) target_semaphore(%arg17 : memref<!tpu.dma_semaphore, #tpu.memory_space<semaphore_mem>>)
      %dma_start3A_109 = tpu.memref_slice %arg4[%mul3A_106] : memref<320000xi32, #tpu.memory_space<hbm>> -> memref<128xi32, #tpu.memory_space<hbm>>
      %dma_start3A_110 = tpu.memref_slice %arg4[%mul3A_106] : memref<320000xi32, #tpu.memory_space<hbm>> -> memref<128xi32, #tpu.memory_space<hbm>>
      tpu.enqueue_dma source(%dma_start3A_110 : memref<128xi32, #tpu.memory_space<hbm>>) target(%arg10 : memref<128xi32, #tpu.memory_space<vmem>>) target_semaphore(%arg17 : memref<!tpu.dma_semaphore, #tpu.memory_space<semaphore_mem>>)
      %mul3A_111 = arith.constant 3 : i32
      %mul3A_112 = arith.muli %mul3A_111, %scan3A_85 : i32
      %add3A_113 = arith.constant 2 : i32
      %add3A_114 = arith.addi %mul3A_112, %add3A_113 : i32
      %mul3A_115 = arith.constant 32 : i32
      %mul3A_116 = arith.muli %add3A_114, %mul3A_115 : i32
      %add3A_117 = arith.addi %add3A, %mul3A_116 : i32
      %mul3A_118 = arith.constant 128 : i32
      %mul3A_119 = arith.muli %add3A_117, %mul3A_118 : i32
      %dma_start3A_120 = tpu.memref_slice %arg3[%mul3A_119] : memref<320000xi32, #tpu.memory_space<hbm>> -> memref<128xi32, #tpu.memory_space<hbm>>
      %dma_start3A_121 = tpu.memref_slice %arg3[%mul3A_119] : memref<320000xi32, #tpu.memory_space<hbm>> -> memref<128xi32, #tpu.memory_space<hbm>>
      tpu.enqueue_dma source(%dma_start3A_121 : memref<128xi32, #tpu.memory_space<hbm>>) target(%arg8 : memref<128xi32, #tpu.memory_space<vmem>>) target_semaphore(%arg18 : memref<!tpu.dma_semaphore, #tpu.memory_space<semaphore_mem>>)
      %dma_start3A_122 = tpu.memref_slice %arg4[%mul3A_119] : memref<320000xi32, #tpu.memory_space<hbm>> -> memref<128xi32, #tpu.memory_space<hbm>>
      %dma_start3A_123 = tpu.memref_slice %arg4[%mul3A_119] : memref<320000xi32, #tpu.memory_space<hbm>> -> memref<128xi32, #tpu.memory_space<hbm>>
      tpu.enqueue_dma source(%dma_start3A_123 : memref<128xi32, #tpu.memory_space<hbm>>) target(%arg11 : memref<128xi32, #tpu.memory_space<vmem>>) target_semaphore(%arg18 : memref<!tpu.dma_semaphore, #tpu.memory_space<semaphore_mem>>)
      %dma_wait3A = tpu.memref_slice %arg3[%mul3A_94] : memref<320000xi32, #tpu.memory_space<hbm>> -> memref<128xi32, #tpu.memory_space<hbm>>
      %dma_wait3A_124 = tpu.memref_slice %arg3[%mul3A_94] : memref<320000xi32, #tpu.memory_space<hbm>> -> memref<128xi32, #tpu.memory_space<hbm>>
      tpu.wait_dma2 semaphore(%arg16 : memref<!tpu.dma_semaphore, #tpu.memory_space<semaphore_mem>>) src(%dma_wait3A_124 : memref<128xi32, #tpu.memory_space<hbm>>) dst(%arg6 : memref<128xi32, #tpu.memory_space<vmem>>)
      %dma_wait3A_125 = tpu.memref_slice %arg4[%mul3A_94] : memref<320000xi32, #tpu.memory_space<hbm>> -> memref<128xi32, #tpu.memory_space<hbm>>
      %dma_wait3A_126 = tpu.memref_slice %arg4[%mul3A_94] : memref<320000xi32, #tpu.memory_space<hbm>> -> memref<128xi32, #tpu.memory_space<hbm>>
      tpu.wait_dma2 semaphore(%arg16 : memref<!tpu.dma_semaphore, #tpu.memory_space<semaphore_mem>>) src(%dma_wait3A_126 : memref<128xi32, #tpu.memory_space<hbm>>) dst(%arg9 : memref<128xi32, #tpu.memory_space<vmem>>)
      %dma_start3A_127 = arith.constant 0 : i32
      %dma_start3A_128 = arith.constant 0 : i32
      %dma_start3A_129 = tpu.memref_slice %arg2[%dma_start3A_127, %dma_start3A_128] : memref<10000x128xf32, #tpu.memory_space<hbm>> -> memref<10000x128xf32, #tpu.memory_space<hbm>>
      tpu.enqueue_indirect_dma source(%dma_start3A_129 : memref<10000x128xf32, #tpu.memory_space<hbm>>) target(%arg12 : memref<128x128xf32, #tpu.memory_space<vmem>>) offsets(%arg6 : memref<128xi32, #tpu.memory_space<vmem>>) semaphore(%arg19 : memref<!tpu.dma_semaphore, #tpu.memory_space<semaphore_mem>>)
      %dma_wait3A_130 = tpu.memref_slice %arg3[%mul3A_106] : memref<320000xi32, #tpu.memory_space<hbm>> -> memref<128xi32, #tpu.memory_space<hbm>>
      %dma_wait3A_131 = tpu.memref_slice %arg3[%mul3A_106] : memref<320000xi32, #tpu.memory_space<hbm>> -> memref<128xi32, #tpu.memory_space<hbm>>
      tpu.wait_dma2 semaphore(%arg17 : memref<!tpu.dma_semaphore, #tpu.memory_space<semaphore_mem>>) src(%dma_wait3A_131 : memref<128xi32, #tpu.memory_space<hbm>>) dst(%arg7 : memref<128xi32, #tpu.memory_space<vmem>>)
      %dma_wait3A_132 = tpu.memref_slice %arg4[%mul3A_106] : memref<320000xi32, #tpu.memory_space<hbm>> -> memref<128xi32, #tpu.memory_space<hbm>>
      %dma_wait3A_133 = tpu.memref_slice %arg4[%mul3A_106] : memref<320000xi32, #tpu.memory_space<hbm>> -> memref<128xi32, #tpu.memory_space<hbm>>
      tpu.wait_dma2 semaphore(%arg17 : memref<!tpu.dma_semaphore, #tpu.memory_space<semaphore_mem>>) src(%dma_wait3A_133 : memref<128xi32, #tpu.memory_space<hbm>>) dst(%arg10 : memref<128xi32, #tpu.memory_space<vmem>>)
      %dma_start3A_134 = arith.constant 0 : i32
      %dma_start3A_135 = arith.constant 0 : i32
      %dma_start3A_136 = tpu.memref_slice %arg2[%dma_start3A_134, %dma_start3A_135] : memref<10000x128xf32, #tpu.memory_space<hbm>> -> memref<10000x128xf32, #tpu.memory_space<hbm>>
      tpu.enqueue_indirect_dma source(%dma_start3A_136 : memref<10000x128xf32, #tpu.memory_space<hbm>>) target(%arg13 : memref<128x128xf32, #tpu.memory_space<vmem>>) offsets(%arg7 : memref<128xi32, #tpu.memory_space<vmem>>) semaphore(%arg20 : memref<!tpu.dma_semaphore, #tpu.memory_space<semaphore_mem>>)
      %dma_wait3A_137 = tpu.memref_slice %arg3[%mul3A_119] : memref<320000xi32, #tpu.memory_space<hbm>> -> memref<128xi32, #tpu.memory_space<hbm>>
      %dma_wait3A_138 = tpu.memref_slice %arg3[%mul3A_119] : memref<320000xi32, #tpu.memory_space<hbm>> -> memref<128xi32, #tpu.memory_space<hbm>>
      tpu.wait_dma2 semaphore(%arg18 : memref<!tpu.dma_semaphore, #tpu.memory_space<semaphore_mem>>) src(%dma_wait3A_138 : memref<128xi32, #tpu.memory_space<hbm>>) dst(%arg8 : memref<128xi32, #tpu.memory_space<vmem>>)
      %dma_wait3A_139 = tpu.memref_slice %arg4[%mul3A_119] : memref<320000xi32, #tpu.memory_space<hbm>> -> memref<128xi32, #tpu.memory_space<hbm>>
      %dma_wait3A_140 = tpu.memref_slice %arg4[%mul3A_119] : memref<320000xi32, #tpu.memory_space<hbm>> -> memref<128xi32, #tpu.memory_space<hbm>>
      tpu.wait_dma2 semaphore(%arg18 : memref<!tpu.dma_semaphore, #tpu.memory_space<semaphore_mem>>) src(%dma_wait3A_140 : memref<128xi32, #tpu.memory_space<hbm>>) dst(%arg11 : memref<128xi32, #tpu.memory_space<vmem>>)
      %dma_start3A_141 = arith.constant 0 : i32
      %dma_start3A_142 = arith.constant 0 : i32
      %dma_start3A_143 = tpu.memref_slice %arg2[%dma_start3A_141, %dma_start3A_142] : memref<10000x128xf32, #tpu.memory_space<hbm>> -> memref<10000x128xf32, #tpu.memory_space<hbm>>
      tpu.enqueue_indirect_dma source(%dma_start3A_143 : memref<10000x128xf32, #tpu.memory_space<hbm>>) target(%arg14 : memref<128x128xf32, #tpu.memory_space<vmem>>) offsets(%arg8 : memref<128xi32, #tpu.memory_space<vmem>>) semaphore(%arg21 : memref<!tpu.dma_semaphore, #tpu.memory_space<semaphore_mem>>)
      %dma_wait3A_144 = arith.constant 0 : i32
      %dma_wait3A_145 = arith.constant 0 : i32
      %dma_wait3A_146 = tpu.memref_slice %arg2[%dma_wait3A_144, %dma_wait3A_145] : memref<10000x128xf32, #tpu.memory_space<hbm>> -> memref<10000x128xf32, #tpu.memory_space<hbm>>
      tpu.wait_indirect_dma semaphore(%arg19 : memref<!tpu.dma_semaphore, #tpu.memory_space<semaphore_mem>>) src(%dma_wait3A_146 : memref<10000x128xf32, #tpu.memory_space<hbm>>) dst(%arg12 : memref<128x128xf32, #tpu.memory_space<vmem>>)
      %dma_start3A_147 = arith.constant 0 : i32
      %dma_start3A_148 = arith.constant 0 : i32
      %dma_start3A_149 = tpu.memref_slice %arg15[%dma_start3A_147, %dma_start3A_148] : memref<10000x128xf32, #tpu.memory_space<vmem_shared>> -> memref<10000x128xf32, #tpu.memory_space<vmem_shared>>
      tpu.enqueue_indirect_dma source(%arg12 : memref<128x128xf32, #tpu.memory_space<vmem>>) target(%dma_start3A_149 : memref<10000x128xf32, #tpu.memory_space<vmem_shared>>) offsets(%arg9 : memref<128xi32, #tpu.memory_space<vmem>>) semaphore(%arg22 : memref<!tpu.dma_semaphore, #tpu.memory_space<semaphore_mem>>) {add = true}
      %dma_wait3A_150 = arith.constant 0 : i32
      %dma_wait3A_151 = arith.constant 0 : i32
      %dma_wait3A_152 = tpu.memref_slice %arg2[%dma_wait3A_150, %dma_wait3A_151] : memref<10000x128xf32, #tpu.memory_space<hbm>> -> memref<10000x128xf32, #tpu.memory_space<hbm>>
      tpu.wait_indirect_dma semaphore(%arg20 : memref<!tpu.dma_semaphore, #tpu.memory_space<semaphore_mem>>) src(%dma_wait3A_152 : memref<10000x128xf32, #tpu.memory_space<hbm>>) dst(%arg13 : memref<128x128xf32, #tpu.memory_space<vmem>>)
      %dma_start3A_153 = arith.constant 0 : i32
      %dma_start3A_154 = arith.constant 0 : i32
      %dma_start3A_155 = tpu.memref_slice %arg15[%dma_start3A_153, %dma_start3A_154] : memref<10000x128xf32, #tpu.memory_space<vmem_shared>> -> memref<10000x128xf32, #tpu.memory_space<vmem_shared>>
      tpu.enqueue_indirect_dma source(%arg13 : memref<128x128xf32, #tpu.memory_space<vmem>>) target(%dma_start3A_155 : memref<10000x128xf32, #tpu.memory_space<vmem_shared>>) offsets(%arg10 : memref<128xi32, #tpu.memory_space<vmem>>) semaphore(%arg23 : memref<!tpu.dma_semaphore, #tpu.memory_space<semaphore_mem>>) {add = true}
      %dma_wait3A_156 = arith.constant 0 : i32
      %dma_wait3A_157 = arith.constant 0 : i32
      %dma_wait3A_158 = tpu.memref_slice %arg2[%dma_wait3A_156, %dma_wait3A_157] : memref<10000x128xf32, #tpu.memory_space<hbm>> -> memref<10000x128xf32, #tpu.memory_space<hbm>>
      tpu.wait_indirect_dma semaphore(%arg21 : memref<!tpu.dma_semaphore, #tpu.memory_space<semaphore_mem>>) src(%dma_wait3A_158 : memref<10000x128xf32, #tpu.memory_space<hbm>>) dst(%arg14 : memref<128x128xf32, #tpu.memory_space<vmem>>)
      %dma_start3A_159 = arith.constant 0 : i32
      %dma_start3A_160 = arith.constant 0 : i32
      %dma_start3A_161 = tpu.memref_slice %arg15[%dma_start3A_159, %dma_start3A_160] : memref<10000x128xf32, #tpu.memory_space<vmem_shared>> -> memref<10000x128xf32, #tpu.memory_space<vmem_shared>>
      tpu.enqueue_indirect_dma source(%arg14 : memref<128x128xf32, #tpu.memory_space<vmem>>) target(%dma_start3A_161 : memref<10000x128xf32, #tpu.memory_space<vmem_shared>>) offsets(%arg11 : memref<128xi32, #tpu.memory_space<vmem>>) semaphore(%arg24 : memref<!tpu.dma_semaphore, #tpu.memory_space<semaphore_mem>>) {add = true}
      %dma_wait3A_162 = arith.constant 0 : i32
      %dma_wait3A_163 = arith.constant 0 : i32
      %dma_wait3A_164 = tpu.memref_slice %arg15[%dma_wait3A_162, %dma_wait3A_163] : memref<10000x128xf32, #tpu.memory_space<vmem_shared>> -> memref<10000x128xf32, #tpu.memory_space<vmem_shared>>
      tpu.wait_indirect_dma semaphore(%arg22 : memref<!tpu.dma_semaphore, #tpu.memory_space<semaphore_mem>>) src(%arg12 : memref<128x128xf32, #tpu.memory_space<vmem>>) dst(%dma_wait3A_164 : memref<10000x128xf32, #tpu.memory_space<vmem_shared>>)
      %dma_wait3A_165 = arith.constant 0 : i32
      %dma_wait3A_166 = arith.constant 0 : i32
      %dma_wait3A_167 = tpu.memref_slice %arg15[%dma_wait3A_165, %dma_wait3A_166] : memref<10000x128xf32, #tpu.memory_space<vmem_shared>> -> memref<10000x128xf32, #tpu.memory_space<vmem_shared>>
      tpu.wait_indirect_dma semaphore(%arg23 : memref<!tpu.dma_semaphore, #tpu.memory_space<semaphore_mem>>) src(%arg13 : memref<128x128xf32, #tpu.memory_space<vmem>>) dst(%dma_wait3A_167 : memref<10000x128xf32, #tpu.memory_space<vmem_shared>>)
      %dma_wait3A_168 = arith.constant 0 : i32
      %dma_wait3A_169 = arith.constant 0 : i32
      %dma_wait3A_170 = tpu.memref_slice %arg15[%dma_wait3A_168, %dma_wait3A_169] : memref<10000x128xf32, #tpu.memory_space<vmem_shared>> -> memref<10000x128xf32, #tpu.memory_space<vmem_shared>>
      tpu.wait_indirect_dma semaphore(%arg24 : memref<!tpu.dma_semaphore, #tpu.memory_space<semaphore_mem>>) src(%arg14 : memref<128x128xf32, #tpu.memory_space<vmem>>) dst(%dma_wait3A_170 : memref<10000x128xf32, #tpu.memory_space<vmem_shared>>)
    }
    %scan3A_52 = arith.constant 26 : i32
    %add3A_53 = arith.constant 0 : i32
    %add3A_54 = arith.addi %add3A, %add3A_53 : i32
    %lt3A = arith.constant 4 : i32
    %lt3A_55 = arith.cmpi slt, %add3A_54, %lt3A : i32
    %convert_element_type3A_56 = arith.extui %lt3A_55 : i1 to i32
    %cond3A_57 = arith.constant 0 : i32
    %cond3A_58 = arith.cmpi ne, %convert_element_type3A_56, %cond3A_57 : i32
    scf.if %cond3A_58 {
      %add3A_85 = arith.constant 2496 : i32
      %add3A_86 = arith.addi %add3A_85, %add3A : i32
      %mul3A_87 = arith.constant 128 : i32
      %mul3A_88 = arith.muli %add3A_86, %mul3A_87 : i32
      "tpu.region"() ({
        %run_scoped3A = tpu.sem_alloc : memref<!tpu.dma_semaphore, #tpu.memory_space<semaphore_mem>>
        %dma_start3A_93 = tpu.memref_slice %arg3[%mul3A_88] : memref<320000xi32, #tpu.memory_space<hbm>> -> memref<128xi32, #tpu.memory_space<hbm>>
        %dma_start3A_94 = tpu.memref_slice %arg3[%mul3A_88] : memref<320000xi32, #tpu.memory_space<hbm>> -> memref<128xi32, #tpu.memory_space<hbm>>
        tpu.enqueue_dma source(%dma_start3A_94 : memref<128xi32, #tpu.memory_space<hbm>>) target(%arg6 : memref<128xi32, #tpu.memory_space<vmem>>) target_semaphore(%run_scoped3A : memref<!tpu.dma_semaphore, #tpu.memory_space<semaphore_mem>>)
        %dma_wait3A_95 = tpu.memref_slice %arg3[%mul3A_88] : memref<320000xi32, #tpu.memory_space<hbm>> -> memref<128xi32, #tpu.memory_space<hbm>>
        %dma_wait3A_96 = tpu.memref_slice %arg3[%mul3A_88] : memref<320000xi32, #tpu.memory_space<hbm>> -> memref<128xi32, #tpu.memory_space<hbm>>
        tpu.wait_dma2 semaphore(%run_scoped3A : memref<!tpu.dma_semaphore, #tpu.memory_space<semaphore_mem>>) src(%dma_wait3A_96 : memref<128xi32, #tpu.memory_space<hbm>>) dst(%arg6 : memref<128xi32, #tpu.memory_space<vmem>>)
        tpu.yield
      }) : () -> ()
      "tpu.region"() ({
        %run_scoped3A = tpu.sem_alloc : memref<!tpu.dma_semaphore, #tpu.memory_space<semaphore_mem>>
        %dma_start3A_93 = tpu.memref_slice %arg4[%mul3A_88] : memref<320000xi32, #tpu.memory_space<hbm>> -> memref<128xi32, #tpu.memory_space<hbm>>
        %dma_start3A_94 = tpu.memref_slice %arg4[%mul3A_88] : memref<320000xi32, #tpu.memory_space<hbm>> -> memref<128xi32, #tpu.memory_space<hbm>>
        tpu.enqueue_dma source(%dma_start3A_94 : memref<128xi32, #tpu.memory_space<hbm>>) target(%arg9 : memref<128xi32, #tpu.memory_space<vmem>>) target_semaphore(%run_scoped3A : memref<!tpu.dma_semaphore, #tpu.memory_space<semaphore_mem>>)
        %dma_wait3A_95 = tpu.memref_slice %arg4[%mul3A_88] : memref<320000xi32, #tpu.memory_space<hbm>> -> memref<128xi32, #tpu.memory_space<hbm>>
        %dma_wait3A_96 = tpu.memref_slice %arg4[%mul3A_88] : memref<320000xi32, #tpu.memory_space<hbm>> -> memref<128xi32, #tpu.memory_space<hbm>>
        tpu.wait_dma2 semaphore(%run_scoped3A : memref<!tpu.dma_semaphore, #tpu.memory_space<semaphore_mem>>) src(%dma_wait3A_96 : memref<128xi32, #tpu.memory_space<hbm>>) dst(%arg9 : memref<128xi32, #tpu.memory_space<vmem>>)
        tpu.yield
      }) : () -> ()
      %dma_start3A = arith.constant 0 : i32
      %dma_start3A_89 = arith.constant 0 : i32
      %dma_start3A_90 = tpu.memref_slice %arg2[%dma_start3A, %dma_start3A_89] : memref<10000x128xf32, #tpu.memory_space<hbm>> -> memref<10000x128xf32, #tpu.memory_space<hbm>>
      tpu.enqueue_indirect_dma source(%dma_start3A_90 : memref<10000x128xf32, #tpu.memory_space<hbm>>) target(%arg12 : memref<128x128xf32, #tpu.memory_space<vmem>>) offsets(%arg6 : memref<128xi32, #tpu.memory_space<vmem>>) semaphore(%arg19 : memref<!tpu.dma_semaphore, #tpu.memory_space<semaphore_mem>>)
      %dma_wait3A = arith.constant 0 : i32
      %dma_wait3A_91 = arith.constant 0 : i32
      %dma_wait3A_92 = tpu.memref_slice %arg2[%dma_wait3A, %dma_wait3A_91] : memref<10000x128xf32, #tpu.memory_space<hbm>> -> memref<10000x128xf32, #tpu.memory_space<hbm>>
      tpu.wait_indirect_dma semaphore(%arg19 : memref<!tpu.dma_semaphore, #tpu.memory_space<semaphore_mem>>) src(%dma_wait3A_92 : memref<10000x128xf32, #tpu.memory_space<hbm>>) dst(%arg12 : memref<128x128xf32, #tpu.memory_space<vmem>>)
      "tpu.region"() ({
        %run_scoped3A = tpu.sem_alloc : memref<!tpu.dma_semaphore, #tpu.memory_space<semaphore_mem>>
        %dma_start3A_93 = arith.constant 0 : i32
        %dma_start3A_94 = arith.constant 0 : i32
        %dma_start3A_95 = tpu.memref_slice %arg15[%dma_start3A_93, %dma_start3A_94] : memref<10000x128xf32, #tpu.memory_space<vmem_shared>> -> memref<10000x128xf32, #tpu.memory_space<vmem_shared>>
        tpu.enqueue_indirect_dma source(%arg12 : memref<128x128xf32, #tpu.memory_space<vmem>>) target(%dma_start3A_95 : memref<10000x128xf32, #tpu.memory_space<vmem_shared>>) offsets(%arg9 : memref<128xi32, #tpu.memory_space<vmem>>) semaphore(%run_scoped3A : memref<!tpu.dma_semaphore, #tpu.memory_space<semaphore_mem>>) {add = true}
        %dma_wait3A_96 = arith.constant 0 : i32
        %dma_wait3A_97 = arith.constant 0 : i32
        %dma_wait3A_98 = tpu.memref_slice %arg15[%dma_wait3A_96, %dma_wait3A_97] : memref<10000x128xf32, #tpu.memory_space<vmem_shared>> -> memref<10000x128xf32, #tpu.memory_space<vmem_shared>>
        tpu.wait_indirect_dma semaphore(%run_scoped3A : memref<!tpu.dma_semaphore, #tpu.memory_space<semaphore_mem>>) src(%arg12 : memref<128x128xf32, #tpu.memory_space<vmem>>) dst(%dma_wait3A_98 : memref<10000x128xf32, #tpu.memory_space<vmem_shared>>)
        tpu.yield
      }) : () -> ()
    } else {
    }
    %barrier3A_59 = arith.constant 0 : index
    tpu.barrier barrier_id(%barrier3A_59)
    %while3A_60 = arith.constant 0 : i32
    %while3A_61 = arith.constant 0 : i32
    %while3A_62 = arith.subi %add3A_25, %while3A_61 : i32
    %while3A_63 = arith.addi %while3A_61, %while3A_62 : i32
    %while3A_64 = arith.constant 1 : i32
    %while3A_65 = arith.divsi %while3A_62, %while3A_64 : i32
    %while3A_66 = arith.muli %while3A_65, %while3A_64 : i32
    %while3A_67 = arith.addi %while3A_61, %while3A_66 : i32
    %while3A_68 = arith.constant 1 : i32
    scf.for %while3A_85 = %while3A_61 to %while3A_67 step %while3A_68  : i32 {
      %mul3A_86 = arith.constant 16 : i32
      %mul3A_87 = arith.muli %while3A_85, %mul3A_86 : i32
      %add3A_88 = arith.addi %arg1, %mul3A_87 : i32
      %mul3A_89 = arith.constant 128 : i32
      %mul3A_90 = arith.muli %add3A_88, %mul3A_89 : i32
      %dma_start3A = arith.constant 0 : i32
      %dma_start3A_91 = arith.constant 0 : i32
      %dma_start3A_92 = tpu.memref_slice %arg5[%arg0, %dma_start3A, %dma_start3A_91] : memref<2x10000x128xf32, #tpu.memory_space<hbm>> -> memref<1x10000x128xf32, #tpu.memory_space<hbm>>
      %dma_start3A_93 = tpu.memref_squeeze %dma_start3A_92 : memref<1x10000x128xf32, #tpu.memory_space<hbm>> -> memref<10000x128xf32, #tpu.memory_space<hbm>>
      %dma_start3A_94 = arith.constant 0 : i32
      %dma_start3A_95 = tpu.memref_slice %dma_start3A_93[%mul3A_90, %dma_start3A_94] : memref<10000x128xf32, #tpu.memory_space<hbm>> -> memref<128x128xf32, #tpu.memory_space<hbm>>
      %dma_start3A_96 = arith.constant 0 : i32
      %dma_start3A_97 = tpu.memref_slice %arg15[%mul3A_90, %dma_start3A_96] : memref<10000x128xf32, #tpu.memory_space<vmem_shared>> -> memref<128x128xf32, #tpu.memory_space<vmem_shared>>
      tpu.enqueue_dma source(%dma_start3A_97 : memref<128x128xf32, #tpu.memory_space<vmem_shared>>) target(%dma_start3A_95 : memref<128x128xf32, #tpu.memory_space<hbm>>) target_semaphore(%arg22 : memref<!tpu.dma_semaphore, #tpu.memory_space<semaphore_mem>>)
    }
    %while3A_69 = arith.constant 1 : i32
    scf.for %while3A_85 = %while3A_67 to %while3A_63 step %while3A_69  : i32 {
      %mul3A_86 = arith.constant 16 : i32
      %mul3A_87 = arith.muli %while3A_85, %mul3A_86 : i32
      %add3A_88 = arith.addi %arg1, %mul3A_87 : i32
      %mul3A_89 = arith.constant 128 : i32
      %mul3A_90 = arith.muli %add3A_88, %mul3A_89 : i32
      %dma_start3A = arith.constant 0 : i32
      %dma_start3A_91 = arith.constant 0 : i32
      %dma_start3A_92 = tpu.memref_slice %arg5[%arg0, %dma_start3A, %dma_start3A_91] : memref<2x10000x128xf32, #tpu.memory_space<hbm>> -> memref<1x10000x128xf32, #tpu.memory_space<hbm>>
      %dma_start3A_93 = tpu.memref_squeeze %dma_start3A_92 : memref<1x10000x128xf32, #tpu.memory_space<hbm>> -> memref<10000x128xf32, #tpu.memory_space<hbm>>
      %dma_start3A_94 = arith.constant 0 : i32
      %dma_start3A_95 = tpu.memref_slice %dma_start3A_93[%mul3A_90, %dma_start3A_94] : memref<10000x128xf32, #tpu.memory_space<hbm>> -> memref<128x128xf32, #tpu.memory_space<hbm>>
      %dma_start3A_96 = arith.constant 0 : i32
      %dma_start3A_97 = tpu.memref_slice %arg15[%mul3A_90, %dma_start3A_96] : memref<10000x128xf32, #tpu.memory_space<vmem_shared>> -> memref<128x128xf32, #tpu.memory_space<vmem_shared>>
      tpu.enqueue_dma source(%dma_start3A_97 : memref<128x128xf32, #tpu.memory_space<vmem_shared>>) target(%dma_start3A_95 : memref<128x128xf32, #tpu.memory_space<hbm>>) target_semaphore(%arg22 : memref<!tpu.dma_semaphore, #tpu.memory_space<semaphore_mem>>)
    }
    %while3A_70 = arith.constant 0 : i32
    %while3A_71 = arith.constant 0 : i32
    %while3A_72 = arith.subi %add3A_25, %while3A_71 : i32
    %while3A_73 = arith.addi %while3A_71, %while3A_72 : i32
    %while3A_74 = arith.constant 1 : i32
    %while3A_75 = arith.divsi %while3A_72, %while3A_74 : i32
    %while3A_76 = arith.muli %while3A_75, %while3A_74 : i32
    %while3A_77 = arith.addi %while3A_71, %while3A_76 : i32
    %while3A_78 = arith.constant 1 : i32
    scf.for %while3A_85 = %while3A_71 to %while3A_77 step %while3A_78  : i32 {
      %dma_wait3A = arith.constant 0 : i32
      %dma_wait3A_86 = arith.constant 0 : i32
      %dma_wait3A_87 = tpu.memref_slice %arg5[%arg0, %dma_wait3A, %dma_wait3A_86] : memref<2x10000x128xf32, #tpu.memory_space<hbm>> -> memref<1x10000x128xf32, #tpu.memory_space<hbm>>
      %dma_wait3A_88 = tpu.memref_squeeze %dma_wait3A_87 : memref<1x10000x128xf32, #tpu.memory_space<hbm>> -> memref<10000x128xf32, #tpu.memory_space<hbm>>
      %dma_wait3A_89 = arith.constant 0 : i32
      %dma_wait3A_90 = arith.constant 0 : i32
      %dma_wait3A_91 = tpu.memref_slice %dma_wait3A_88[%dma_wait3A_89, %dma_wait3A_90] : memref<10000x128xf32, #tpu.memory_space<hbm>> -> memref<128x128xf32, #tpu.memory_space<hbm>>
      %dma_wait3A_92 = arith.constant 0 : i32
      %dma_wait3A_93 = arith.constant 0 : i32
      %dma_wait3A_94 = tpu.memref_slice %arg15[%dma_wait3A_92, %dma_wait3A_93] : memref<10000x128xf32, #tpu.memory_space<vmem_shared>> -> memref<128x128xf32, #tpu.memory_space<vmem_shared>>
      tpu.wait_dma2 semaphore(%arg22 : memref<!tpu.dma_semaphore, #tpu.memory_space<semaphore_mem>>) src(%dma_wait3A_94 : memref<128x128xf32, #tpu.memory_space<vmem_shared>>) dst(%dma_wait3A_91 : memref<128x128xf32, #tpu.memory_space<hbm>>)
    }
    %while3A_79 = arith.constant 1 : i32
    scf.for %while3A_85 = %while3A_77 to %while3A_73 step %while3A_79  : i32 {
      %dma_wait3A = arith.constant 0 : i32
      %dma_wait3A_86 = arith.constant 0 : i32
      %dma_wait3A_87 = tpu.memref_slice %arg5[%arg0, %dma_wait3A, %dma_wait3A_86] : memref<2x10000x128xf32, #tpu.memory_space<hbm>> -> memref<1x10000x128xf32, #tpu.memory_space<hbm>>
      %dma_wait3A_88 = tpu.memref_squeeze %dma_wait3A_87 : memref<1x10000x128xf32, #tpu.memory_space<hbm>> -> memref<10000x128xf32, #tpu.memory_space<hbm>>
      %dma_wait3A_89 = arith.constant 0 : i32
      %dma_wait3A_90 = arith.constant 0 : i32
      %dma_wait3A_91 = tpu.memref_slice %dma_wait3A_88[%dma_wait3A_89, %dma_wait3A_90] : memref<10000x128xf32, #tpu.memory_space<hbm>> -> memref<128x128xf32, #tpu.memory_space<hbm>>
      %dma_wait3A_92 = arith.constant 0 : i32
      %dma_wait3A_93 = arith.constant 0 : i32
      %dma_wait3A_94 = tpu.memref_slice %arg15[%dma_wait3A_92, %dma_wait3A_93] : memref<10000x128xf32, #tpu.memory_space<vmem_shared>> -> memref<128x128xf32, #tpu.memory_space<vmem_shared>>
      tpu.wait_dma2 semaphore(%arg22 : memref<!tpu.dma_semaphore, #tpu.memory_space<semaphore_mem>>) src(%dma_wait3A_94 : memref<128x128xf32, #tpu.memory_space<vmem_shared>>) dst(%dma_wait3A_91 : memref<128x128xf32, #tpu.memory_space<hbm>>)
    }
    %eq3A_80 = arith.constant 15 : i32
    %eq3A_81 = arith.cmpi eq, %arg1, %eq3A_80 : i32
    %convert_element_type3A_82 = arith.extui %eq3A_81 : i1 to i32
    %cond3A_83 = arith.constant 0 : i32
    %cond3A_84 = arith.cmpi ne, %convert_element_type3A_82, %cond3A_83 : i32
    scf.if %cond3A_84 {
      "tpu.region"() ({
        %run_scoped3A = tpu.sem_alloc : memref<!tpu.dma_semaphore, #tpu.memory_space<semaphore_mem>>
        %dma_start3A = arith.constant 0 : i32
        %dma_start3A_85 = arith.constant 0 : i32
        %dma_start3A_86 = tpu.memref_slice %arg5[%arg0, %dma_start3A, %dma_start3A_85] : memref<2x10000x128xf32, #tpu.memory_space<hbm>> -> memref<1x10000x128xf32, #tpu.memory_space<hbm>>
        %dma_start3A_87 = tpu.memref_squeeze %dma_start3A_86 : memref<1x10000x128xf32, #tpu.memory_space<hbm>> -> memref<10000x128xf32, #tpu.memory_space<hbm>>
        %dma_start3A_88 = arith.constant 9984 : i32
        %dma_start3A_89 = arith.constant 0 : i32
        %dma_start3A_90 = tpu.memref_slice %dma_start3A_87[%dma_start3A_88, %dma_start3A_89] : memref<10000x128xf32, #tpu.memory_space<hbm>> -> memref<16x128xf32, #tpu.memory_space<hbm>>
        %dma_start3A_91 = arith.constant 9984 : i32
        %dma_start3A_92 = arith.constant 0 : i32
        %dma_start3A_93 = tpu.memref_slice %arg15[%dma_start3A_91, %dma_start3A_92] : memref<10000x128xf32, #tpu.memory_space<vmem_shared>> -> memref<16x128xf32, #tpu.memory_space<vmem_shared>>
        tpu.enqueue_dma source(%dma_start3A_93 : memref<16x128xf32, #tpu.memory_space<vmem_shared>>) target(%dma_start3A_90 : memref<16x128xf32, #tpu.memory_space<hbm>>) target_semaphore(%run_scoped3A : memref<!tpu.dma_semaphore, #tpu.memory_space<semaphore_mem>>)
        %dma_wait3A = arith.constant 0 : i32
        %dma_wait3A_94 = arith.constant 0 : i32
        %dma_wait3A_95 = tpu.memref_slice %arg5[%arg0, %dma_wait3A, %dma_wait3A_94] : memref<2x10000x128xf32, #tpu.memory_space<hbm>> -> memref<1x10000x128xf32, #tpu.memory_space<hbm>>
        %dma_wait3A_96 = tpu.memref_squeeze %dma_wait3A_95 : memref<1x10000x128xf32, #tpu.memory_space<hbm>> -> memref<10000x128xf32, #tpu.memory_space<hbm>>
        %dma_wait3A_97 = arith.constant 9984 : i32
        %dma_wait3A_98 = arith.constant 0 : i32
        %dma_wait3A_99 = tpu.memref_slice %dma_wait3A_96[%dma_wait3A_97, %dma_wait3A_98] : memref<10000x128xf32, #tpu.memory_space<hbm>> -> memref<16x128xf32, #tpu.memory_space<hbm>>
        %dma_wait3A_100 = arith.constant 9984 : i32
        %dma_wait3A_101 = arith.constant 0 : i32
        %dma_wait3A_102 = tpu.memref_slice %arg15[%dma_wait3A_100, %dma_wait3A_101] : memref<10000x128xf32, #tpu.memory_space<vmem_shared>> -> memref<16x128xf32, #tpu.memory_space<vmem_shared>>
        tpu.wait_dma2 semaphore(%run_scoped3A : memref<!tpu.dma_semaphore, #tpu.memory_space<semaphore_mem>>) src(%dma_wait3A_102 : memref<16x128xf32, #tpu.memory_space<vmem_shared>>) dst(%dma_wait3A_99 : memref<16x128xf32, #tpu.memory_space<hbm>>)
        tpu.yield
      }) : () -> ()
    } else {
    }
    return
  }
}

module attributes {stable_mosaic.version = 14 : i64} {
  func.func @body(%arg0: i32, %arg1: memref<2x1000x128xf32, #tpu.memory_space<vmem>>, %arg2: memref<128x128xf32, #tpu.memory_space<vmem>>, %arg3: memref<128x128xf32, #tpu.memory_space<vmem>>, %arg4: memref<128x128xf32, #tpu.memory_space<vmem>>, %arg5: memref<1x128xf32, #tpu.memory_space<vmem>>, %arg6: memref<1x128xf32, #tpu.memory_space<vmem>>, %arg7: memref<1x128xf32, #tpu.memory_space<vmem>>, %arg8: memref<1000x128xf32, #tpu.memory_space<vmem>>) attributes {dimension_semantics = [#tpu.dimension_semantics<arbitrary>], iteration_bounds = array<i64: 10>, scalar_prefetch = 0 : i64, scratch_operands = 0 : i64, tpu.core_type = #tpu.core_type<tc>, window_params = [{transform_indices = @transform_0, window_bounds = array<i64: 2, 1000, 128>}, {pipeline_mode = #tpu.pipeline_mode<synchronous>, transform_indices = @transform_1, window_bounds = array<i64: 128, 128>}, {pipeline_mode = #tpu.pipeline_mode<synchronous>, transform_indices = @transform_2, window_bounds = array<i64: 128, 128>}, {pipeline_mode = #tpu.pipeline_mode<synchronous>, transform_indices = @transform_3, window_bounds = array<i64: 128, 128>}, {pipeline_mode = #tpu.pipeline_mode<synchronous>, transform_indices = @transform_4, window_bounds = array<i64: 1, 128>}, {pipeline_mode = #tpu.pipeline_mode<synchronous>, transform_indices = @transform_5, window_bounds = array<i64: 1, 128>}, {pipeline_mode = #tpu.pipeline_mode<synchronous>, transform_indices = @transform_6, window_bounds = array<i64: 1, 128>}, {transform_indices = @transform_7, window_bounds = array<i64: 1000, 128>}]} {
    %get3A = arith.constant 0 : index
    %get3A_0 = arith.constant 0 : index
    %get3A_1 = vector.load %arg2[%get3A, %get3A_0] : memref<128x128xf32, #tpu.memory_space<vmem>>, vector<128x128xf32>
    %get3A_2 = arith.constant 0 : index
    %get3A_3 = arith.constant 0 : index
    %get3A_4 = vector.load %arg3[%get3A_2, %get3A_3] : memref<128x128xf32, #tpu.memory_space<vmem>>, vector<128x128xf32>
    %exp3A = math.exp %get3A_4 : vector<128x128xf32>
    %log1p3A = math.log1p %exp3A : vector<128x128xf32>
    %get3A_5 = arith.constant 0 : index
    %get3A_6 = arith.constant 0 : index
    %get3A_7 = vector.load %arg4[%get3A_5, %get3A_6] : memref<128x128xf32, #tpu.memory_space<vmem>>, vector<128x128xf32>
    %mul3A = arith.mulf %log1p3A, %get3A_7 : vector<128x128xf32>
    %add3A = arith.addf %get3A_1, %mul3A : vector<128x128xf32>
    %get3A_8 = arith.constant 0 : index
    %get3A_9 = arith.constant 0 : index
    %get3A_10 = vector.load %arg5[%get3A_8, %get3A_9] : memref<1x128xf32, #tpu.memory_space<vmem>>, vector<1x128xf32>
    %get3A_11 = arith.constant 0 : index
    %get3A_12 = arith.constant 0 : index
    %get3A_13 = vector.load %arg6[%get3A_11, %get3A_12] : memref<1x128xf32, #tpu.memory_space<vmem>>, vector<1x128xf32>
    %exp3A_14 = math.exp %get3A_13 : vector<1x128xf32>
    %log1p3A_15 = math.log1p %exp3A_14 : vector<1x128xf32>
    %get3A_16 = arith.constant 0 : index
    %get3A_17 = arith.constant 0 : index
    %get3A_18 = vector.load %arg7[%get3A_16, %get3A_17] : memref<1x128xf32, #tpu.memory_space<vmem>>, vector<1x128xf32>
    %mul3A_19 = arith.mulf %log1p3A_15, %get3A_18 : vector<1x128xf32>
    %add3A_20 = arith.addf %get3A_10, %mul3A_19 : vector<1x128xf32>
    %get3A_21 = arith.constant 0 : index
    %get3A_22 = arith.constant 0 : index
    %get3A_23 = arith.constant 0 : index
    %get3A_24 = vector.load %arg1[%get3A_21, %get3A_22, %get3A_23] : memref<2x1000x128xf32, #tpu.memory_space<vmem>>, vector<1x1000x128xf32>
    %get3A_25 = vector.shape_cast %get3A_24 : vector<1x1000x128xf32> to vector<1000x128xf32>
    %get3A_26 = arith.constant 1 : index
    %get3A_27 = arith.constant 0 : index
    %get3A_28 = arith.constant 0 : index
    %get3A_29 = vector.load %arg1[%get3A_26, %get3A_27, %get3A_28] : memref<2x1000x128xf32, #tpu.memory_space<vmem>>, vector<1x1000x128xf32>
    %get3A_30 = vector.shape_cast %get3A_29 : vector<1x1000x128xf32> to vector<1000x128xf32>
    %add3A_31 = arith.addf %get3A_25, %get3A_30 : vector<1000x128xf32>
    %dot_general3A = arith.constant dense<0.000000e+00> : vector<1000x128xf32>
    %dot_general3A_32 = tpu.matmul %add3A_31, %add3A, %dot_general3A {dimension_numbers = #tpu.dot_dimension_numbers<[1], [0], [0], [1], [0, 0, 1, 1], [], []>, transpose_lhs_hint = false} : vector<1000x128xf32>, vector<128x128xf32>, vector<1000x128xf32> -> vector<1000x128xf32>
    %add3A_33 = vector.broadcast %add3A_20 : vector<1x128xf32> to vector<1000x128xf32>
    %add3A_34 = arith.addf %dot_general3A_32, %add3A_33 : vector<1000x128xf32>
    %swap3A = arith.constant 0 : index
    %swap3A_35 = arith.constant 0 : index
    %swap3A_36 = vector.load %arg8[%swap3A, %swap3A_35] : memref<1000x128xf32, #tpu.memory_space<vmem>>, vector<1000x128xf32>
    tpu.vector_store %arg8[%swap3A, %swap3A_35], %add3A_34 {strides = array<i32>} : memref<1000x128xf32, #tpu.memory_space<vmem>>, vector<1000x128xf32>,
    return
  }
  func.func @transform_0(%arg0: i32) -> (i32, i32, i32) {
    %c0_i32 = arith.constant 0 : i32
    %c0_i32_0 = arith.constant 0 : i32
    %c0_i32_1 = arith.constant 0 : i32
    return %c0_i32, %arg0, %c0_i32_0 : i32, i32, i32
  }
  func.func @transform_1(%arg0: i32) -> (i32, i32) {
    %c0_i32 = arith.constant 0 : i32
    %c0_i32_0 = arith.constant 0 : i32
    %c0_i32_1 = arith.constant 0 : i32
    return %c0_i32, %c0_i32_0 : i32, i32
  }
  func.func @transform_2(%arg0: i32) -> (i32, i32) {
    %c0_i32 = arith.constant 0 : i32
    %c0_i32_0 = arith.constant 0 : i32
    %c0_i32_1 = arith.constant 0 : i32
    return %c0_i32, %c0_i32_0 : i32, i32
  }
  func.func @transform_3(%arg0: i32) -> (i32, i32) {
    %c0_i32 = arith.constant 0 : i32
    %c0_i32_0 = arith.constant 0 : i32
    %c0_i32_1 = arith.constant 0 : i32
    return %c0_i32, %c0_i32_0 : i32, i32
  }
  func.func @transform_4(%arg0: i32) -> (i32, i32) {
    %c0_i32 = arith.constant 0 : i32
    %c0_i32_0 = arith.constant 0 : i32
    %c0_i32_1 = arith.constant 0 : i32
    return %c0_i32, %c0_i32_0 : i32, i32
  }
  func.func @transform_5(%arg0: i32) -> (i32, i32) {
    %c0_i32 = arith.constant 0 : i32
    %c0_i32_0 = arith.constant 0 : i32
    %c0_i32_1 = arith.constant 0 : i32
    return %c0_i32, %c0_i32_0 : i32, i32
  }
  func.func @transform_6(%arg0: i32) -> (i32, i32) {
    %c0_i32 = arith.constant 0 : i32
    %c0_i32_0 = arith.constant 0 : i32
    %c0_i32_1 = arith.constant 0 : i32
    return %c0_i32, %c0_i32_0 : i32, i32
  }
  func.func @transform_7(%arg0: i32) -> (i32, i32) {
    %c0_i32 = arith.constant 0 : i32
    %c0_i32_0 = arith.constant 0 : i32
    return %arg0, %c0_i32 : i32, i32
  }
}

module attributes {stable_mosaic.version = 14 : i64} {
  func.func @body(%arg0: i32, %arg1: memref<2x1000x128xf32, #tpu.memory_space<vmem>>, %arg2: memref<128x128xf32, #tpu.memory_space<vmem>>, %arg3: memref<128x128xf32, #tpu.memory_space<vmem>>, %arg4: memref<128x128xf32, #tpu.memory_space<vmem>>, %arg5: memref<1x128xf32, #tpu.memory_space<vmem>>, %arg6: memref<1x128xf32, #tpu.memory_space<vmem>>, %arg7: memref<1x128xf32, #tpu.memory_space<vmem>>, %arg8: memref<1000x128xf32, #tpu.memory_space<vmem>>) attributes {dimension_semantics = [#tpu.dimension_semantics<arbitrary>], iteration_bounds = array<i64: 10>, scalar_prefetch = 0 : i64, scratch_operands = 0 : i64, tpu.core_type = #tpu.core_type<tc>, window_params = [{transform_indices = @transform_0, window_bounds = array<i64: 2, 1000, 128>}, {pipeline_mode = #tpu.pipeline_mode<synchronous>, transform_indices = @transform_1, window_bounds = array<i64: 128, 128>}, {pipeline_mode = #tpu.pipeline_mode<synchronous>, transform_indices = @transform_2, window_bounds = array<i64: 128, 128>}, {pipeline_mode = #tpu.pipeline_mode<synchronous>, transform_indices = @transform_3, window_bounds = array<i64: 128, 128>}, {pipeline_mode = #tpu.pipeline_mode<synchronous>, transform_indices = @transform_4, window_bounds = array<i64: 1, 128>}, {pipeline_mode = #tpu.pipeline_mode<synchronous>, transform_indices = @transform_5, window_bounds = array<i64: 1, 128>}, {pipeline_mode = #tpu.pipeline_mode<synchronous>, transform_indices = @transform_6, window_bounds = array<i64: 1, 128>}, {transform_indices = @transform_7, window_bounds = array<i64: 1000, 128>}]} {
    %get3A = arith.constant 0 : index
    %get3A_0 = arith.constant 0 : index
    %get3A_1 = vector.load %arg2[%get3A, %get3A_0] : memref<128x128xf32, #tpu.memory_space<vmem>>, vector<128x128xf32>
    %get3A_2 = arith.constant 0 : index
    %get3A_3 = arith.constant 0 : index
    %get3A_4 = vector.load %arg3[%get3A_2, %get3A_3] : memref<128x128xf32, #tpu.memory_space<vmem>>, vector<128x128xf32>
    %exp3A = math.exp %get3A_4 : vector<128x128xf32>
    %log1p3A = math.log1p %exp3A : vector<128x128xf32>
    %get3A_5 = arith.constant 0 : index
    %get3A_6 = arith.constant 0 : index
    %get3A_7 = vector.load %arg4[%get3A_5, %get3A_6] : memref<128x128xf32, #tpu.memory_space<vmem>>, vector<128x128xf32>
    %mul3A = arith.mulf %log1p3A, %get3A_7 : vector<128x128xf32>
    %add3A = arith.addf %get3A_1, %mul3A : vector<128x128xf32>
    %get3A_8 = arith.constant 0 : index
    %get3A_9 = arith.constant 0 : index
    %get3A_10 = vector.load %arg5[%get3A_8, %get3A_9] : memref<1x128xf32, #tpu.memory_space<vmem>>, vector<1x128xf32>
    %get3A_11 = arith.constant 0 : index
    %get3A_12 = arith.constant 0 : index
    %get3A_13 = vector.load %arg6[%get3A_11, %get3A_12] : memref<1x128xf32, #tpu.memory_space<vmem>>, vector<1x128xf32>
    %exp3A_14 = math.exp %get3A_13 : vector<1x128xf32>
    %log1p3A_15 = math.log1p %exp3A_14 : vector<1x128xf32>
    %get3A_16 = arith.constant 0 : index
    %get3A_17 = arith.constant 0 : index
    %get3A_18 = vector.load %arg7[%get3A_16, %get3A_17] : memref<1x128xf32, #tpu.memory_space<vmem>>, vector<1x128xf32>
    %mul3A_19 = arith.mulf %log1p3A_15, %get3A_18 : vector<1x128xf32>
    %add3A_20 = arith.addf %get3A_10, %mul3A_19 : vector<1x128xf32>
    %get3A_21 = arith.constant 0 : index
    %get3A_22 = arith.constant 0 : index
    %get3A_23 = arith.constant 0 : index
    %get3A_24 = vector.load %arg1[%get3A_21, %get3A_22, %get3A_23] : memref<2x1000x128xf32, #tpu.memory_space<vmem>>, vector<1x1000x128xf32>
    %get3A_25 = vector.shape_cast %get3A_24 : vector<1x1000x128xf32> to vector<1000x128xf32>
    %get3A_26 = arith.constant 1 : index
    %get3A_27 = arith.constant 0 : index
    %get3A_28 = arith.constant 0 : index
    %get3A_29 = vector.load %arg1[%get3A_26, %get3A_27, %get3A_28] : memref<2x1000x128xf32, #tpu.memory_space<vmem>>, vector<1x1000x128xf32>
    %get3A_30 = vector.shape_cast %get3A_29 : vector<1x1000x128xf32> to vector<1000x128xf32>
    %add3A_31 = arith.addf %get3A_25, %get3A_30 : vector<1000x128xf32>
    %dot_general3A = arith.constant dense<0.000000e+00> : vector<1000x128xf32>
    %dot_general3A_32 = tpu.matmul %add3A_31, %add3A, %dot_general3A {dimension_numbers = #tpu.dot_dimension_numbers<[1], [0], [0], [1], [0, 0, 1, 1], [], []>, transpose_lhs_hint = false} : vector<1000x128xf32>, vector<128x128xf32>, vector<1000x128xf32> -> vector<1000x128xf32>
    %add3A_33 = vector.broadcast %add3A_20 : vector<1x128xf32> to vector<1000x128xf32>
    %add3A_34 = arith.addf %dot_general3A_32, %add3A_33 : vector<1000x128xf32>
    %max3A = arith.constant 0.000000e+00 : f32
    %max3A_35 = vector.broadcast %max3A : f32 to vector<1000x128xf32>
    %max3A_36 = arith.maximumf %add3A_34, %max3A_35 : vector<1000x128xf32>
    %swap3A = arith.constant 0 : index
    %swap3A_37 = arith.constant 0 : index
    %swap3A_38 = vector.load %arg8[%swap3A, %swap3A_37] : memref<1000x128xf32, #tpu.memory_space<vmem>>, vector<1000x128xf32>
    tpu.vector_store %arg8[%swap3A, %swap3A_37], %max3A_36 {strides = array<i32>} : memref<1000x128xf32, #tpu.memory_space<vmem>>, vector<1000x128xf32>,
    return
  }
  func.func @transform_0(%arg0: i32) -> (i32, i32, i32) {
    %c0_i32 = arith.constant 0 : i32
    %c0_i32_0 = arith.constant 0 : i32
    %c0_i32_1 = arith.constant 0 : i32
    return %c0_i32, %arg0, %c0_i32_0 : i32, i32, i32
  }
  func.func @transform_1(%arg0: i32) -> (i32, i32) {
    %c0_i32 = arith.constant 0 : i32
    %c0_i32_0 = arith.constant 0 : i32
    %c0_i32_1 = arith.constant 0 : i32
    return %c0_i32, %c0_i32_0 : i32, i32
  }
  func.func @transform_2(%arg0: i32) -> (i32, i32) {
    %c0_i32 = arith.constant 0 : i32
    %c0_i32_0 = arith.constant 0 : i32
    %c0_i32_1 = arith.constant 0 : i32
    return %c0_i32, %c0_i32_0 : i32, i32
  }
  func.func @transform_3(%arg0: i32) -> (i32, i32) {
    %c0_i32 = arith.constant 0 : i32
    %c0_i32_0 = arith.constant 0 : i32
    %c0_i32_1 = arith.constant 0 : i32
    return %c0_i32, %c0_i32_0 : i32, i32
  }
  func.func @transform_4(%arg0: i32) -> (i32, i32) {
    %c0_i32 = arith.constant 0 : i32
    %c0_i32_0 = arith.constant 0 : i32
    %c0_i32_1 = arith.constant 0 : i32
    return %c0_i32, %c0_i32_0 : i32, i32
  }
  func.func @transform_5(%arg0: i32) -> (i32, i32) {
    %c0_i32 = arith.constant 0 : i32
    %c0_i32_0 = arith.constant 0 : i32
    %c0_i32_1 = arith.constant 0 : i32
    return %c0_i32, %c0_i32_0 : i32, i32
  }
  func.func @transform_6(%arg0: i32) -> (i32, i32) {
    %c0_i32 = arith.constant 0 : i32
    %c0_i32_0 = arith.constant 0 : i32
    %c0_i32_1 = arith.constant 0 : i32
    return %c0_i32, %c0_i32_0 : i32, i32
  }
  func.func @transform_7(%arg0: i32) -> (i32, i32) {
    %c0_i32 = arith.constant 0 : i32
    %c0_i32_0 = arith.constant 0 : i32
    return %arg0, %c0_i32 : i32, i32
  }
}

</mosaic_0001>

<sc_bundles>
// kernel: kernel.6.cloned.1.call-start
scs
__scs_entry_jumppad:
0x0: {  	(pc) =	sbr.rel $0x88, $3  }
0x1: {  	(tag) =	ssettag $0x0;
	lr =	simm.s32 $0x1  }
0x2: {  	[smem:$0x3F97] =	sst lr;
	_ =	strace $0xD0000000  }
0x3: {  	_ = 	snop  }
0x4: {  	_ = 	snop  }
0x5: {  	_ = 	snop  }
0x6: {  	_ = 	snop  }
0x7: {  	_ = 	snop  }
__scs_overlays_trampoline_lowered:
0x8: {  	[smem:$0x3FA6] =	sst s0  }
0x9: {  	[smem:$0x3FA7] =	sst s1  }
0xa: {  	[smem:$0x3FA8] =	sst s2  }
0xb: {  	[smem:$0x3FA9] =	sst s3  }
0xc: {  	[smem:$0x3FAA] =	sst s4  }
0xd: {  	[smem:$0x3FAB] =	sst s5  }
0xe: {  	[smem:$0x3FAC] =	sst s6  }
0xf: {  	[smem:$0x3FAD] =	sst s7  }
0x10: {  	[smem:$0x3FAE] =	sst s8  }
0x11: {  	[smem:$0x3FAF] =	sst s9;
	s0 =	simm.s32 @!p0 $0x0  }
0x12: {  	s1 =	sld [smem:$0x3F95];
	s0 =	simm.s32 @p0 $0x1  }
0x13: {  	[smem:$0x3FB0] =	sst s0;
	s0 =	simm.s32 @!p1 $0x0  }
0x14: {  	s2 =	sld [smem:$0x3F94];
	s0 =	simm.s32 @p1 $0x1  }
0x15: {  	[smem:$0x3FB1] =	sst s0;
	s0 =	simm.s32 @!p2 $0x0  }
0x16: {  	s3 =	sld [smem:$0x3FDB];
	s0 =	simm.s32 @p2 $0x1  }
0x17: {  	s4 =	simm.s32 $0x1BF5;
	[smem:$0x3FB3] =	sst s0  }
0x18: {  	s0 =	sld [smem:$0x3F96];
	_ =	swait.ge [sflag:s4], $0x0  }
0x19: {  	s7 =	sld [smem:$0x3F97]  }
0x1a: {  	s8 =	sadd.s32 $0xFFFFE003, lr  }
0x1b: {  	s9 =	sadd.s32 $0xFFFFFEF7, lr;
	s5 =	simm.s32 $0xFFFFFFFF;
	p2 =	slt.u32 s8, $0xFFFFF086  }
0x1c: {  	p1 =	slt.u32 s9, $0xF7A;
	s5 =	simm.s32 @!p2 $0x0  }
0x1d: {  	s5 =	simm.s32 @p1 $0x1;
	p0 =	seq.s32 s7, s2  }
0x1e: {  	s7 =	smul.u32 @!p0 $0xF7A, s2;
	p2 =	seq.s32 @!p0 s5, $0x0  }
0x1f: {  	s9 =	smul.u32 $0xF7A, s1;
	s8 =	simm.s32 @!p0 $0x1BF5;
	p2 =	por !p2, p0  }
0x20: {  	[sflag:s8] =	ssyncset.s32 @!p0 $0xFFFFF086;
	s6 =	sadd.s32 @!p0 s3, s7;
	s7 =	simm.s32 @!p0 $0x108  }
0x21: {  	s3 =	sadd.s32 s3, s9;
	s6 =	sadd.s32 @!p0 $0x88, s6;
	s7 =	simm.s32 @p2 $0x1082  }
0x22: {  	[simem:s7], [sflag:s8] =	dma.local @!p0 [hbm:s6], $0xF7A  }
0x23: {  	s9 =	sor.u32 $0xD0000000, s2;
	s6 =	simm.s32 $0x108;
	_ =	swait.ge @!p0 [sflag:s8], $0x0  }
0x24: {  	s3 =	sadd.s32 $0x88, s3;
	s6 =	simm.s32 @!p1 $0x1082;
	[sflag:s4] =	ssyncset.s32 $0xFFFFF086  }
0x25: {  	[simem:s6], [sflag:s4] =	dma.local [hbm:s3], $0xF7A  }
0x26: {  	[smem:$0x3F97] =	sst s1;
	(tag) =	ssettag s2;
	_ =	strace s9  }
0x27: {  	s1 =	sld [smem:$0x3FA7]  }
0x28: {  	s2 =	sld [smem:$0x3FA8]  }
0x29: {  	s4 =	sld [smem:$0x3FAA]  }
0x2a: {  	p0 =	seq.s32 s5, $0x0;
	s5 =	sld [smem:$0x3FAB]  }
0x2b: {  	s6 =	sld [smem:$0x3FAC]  }
0x2c: {  	s7 =	sld [smem:$0x3FAD]  }
0x2d: {  	s3 =	simm.s32 $0x108;
	s8 =	sld [smem:$0x3FAE]  }
0x2e: {  	s3 =	simm.s32 @!p0 $0x1082;
	s9 =	sld [smem:$0x3FAF]  }
0x2f: {  	lr =	sadd.s32 s0, s3;
	s0 =	sld [smem:$0x3FA6]  }
0x30: {  	s3 =	sld [smem:$0x3FA9]  }
0x31: {  	[smem:$0x3FB2] =	sst s10  }
0x32: {  	s10 =	sld [smem:$0x3FB0];
	_ =	sdelay $0x3  }
0x33: {  	p0 =	seq.s32 s10, $0x1;
	s10 =	sld [smem:$0x3FB2];
	_ =	sdelay $0x3  }
0x34: {  	[smem:$0x3FB2] =	sst s10  }
0x35: {  	s10 =	sld [smem:$0x3FB1];
	_ =	sdelay $0x3  }
0x36: {  	p1 =	seq.s32 s10, $0x1;
	s10 =	sld [smem:$0x3FB2];
	_ =	sdelay $0x3  }
0x37: {  	[smem:$0x3FB2] =	sst s10  }
0x38: {  	s10 =	sld [smem:$0x3FB3]  }
0x39: {  	_ = 	snop;
	(pc) =	sbr.ind lr, $3  }
0x3a: {  	_ = 	snop  }
0x3b: {  	_ = 	snop  }
0x3c: {  	p2 =	seq.s32 s10, $0x1;
	s10 =	sld [smem:$0x3FB2]  }
0x3d: {  	_ =	shalt  }
0x3e: {  	_ =	shalt  }
0x3f: {  	_ =	shalt  }
0x40: {  	_ =	shalt  }
0x41: {  	_ =	shalt  }
0x42: {  	_ =	shalt  }
0x43: {  	_ =	shalt  }
0x44: {  	_ =	shalt  }
0x45: {  	_ =	shalt  }
0x46: {  	_ =	shalt  }
0x47: {  	_ =	shalt  }
0x48: {  	_ =	shalt  }
0x49: {  	_ =	shalt  }
0x4a: {  	_ =	shalt  }
0x4b: {  	_ =	shalt  }
0x4c: {  	_ =	shalt  }
0x4d: {  	_ =	shalt  }
0x4e: {  	_ =	shalt  }
0x4f: {  	_ =	shalt  }
0x50: {  	_ =	shalt  }
0x51: {  	_ =	shalt  }
0x52: {  	_ =	shalt  }
0x53: {  	_ =	shalt  }
0x54: {  	_ =	shalt  }
0x55: {  	_ =	shalt  }
0x56: {  	_ =	shalt  }
0x57: {  	_ =	shalt  }
0x58: {  	_ =	shalt  }
0x59: {  	_ =	shalt  }
0x5a: {  	_ =	shalt  }
0x5b: {  	_ =	shalt  }
0x5c: {  	_ =	shalt  }
0x5d: {  	_ =	shalt  }
0x5e: {  	_ =	shalt  }
0x5f: {  	_ =	shalt  }
0x60: {  	_ =	shalt  }
0x61: {  	_ =	shalt  }
0x62: {  	_ =	shalt  }
0x63: {  	_ =	shalt  }
0x64: {  	_ =	shalt  }
0x65: {  	_ =	shalt  }
0x66: {  	_ =	shalt  }
0x67: {  	_ =	shalt  }
0x68: {  	_ =	shalt  }
0x69: {  	_ =	shalt  }
0x6a: {  	_ =	shalt  }
0x6b: {  	_ =	shalt  }
0x6c: {  	_ =	shalt  }
0x6d: {  	_ =	shalt  }
0x6e: {  	_ =	shalt  }
0x6f: {  	_ =	shalt  }
0x70: {  	_ =	shalt  }
0x71: {  	_ =	shalt  }
0x72: {  	_ =	shalt  }
0x73: {  	_ =	shalt  }
0x74: {  	_ =	shalt  }
0x75: {  	_ =	shalt  }
0x76: {  	_ =	shalt  }
0x77: {  	_ =	shalt  }
0x78: {  	_ =	shalt  }
0x79: {  	_ =	shalt  }
0x7a: {  	_ =	shalt  }
0x7b: {  	_ =	shalt  }
0x7c: {  	_ =	shalt  }
0x7d: {  	_ =	shalt  }
0x7e: {  	_ =	shalt  }
0x7f: {  	_ =	shalt  }
0x80: {  	_ =	shalt  }
0x81: {  	_ =	shalt  }
0x82: {  	_ =	shalt  }
0x83: {  	_ =	shalt  }
0x84: {  	_ =	shalt  }
0x85: {  	_ =	shalt  }
0x86: {  	_ =	shalt  }
0x87: {  	_ =	shalt  }
.Lfunc_end0:
.L_simem_size_0:
called_computation_lowered:
.L_overlay_start_0:
0x88: {  	s2 =	sld [smem:$0x3FD9]  }
0x89: {  	s3 =	sld [smem:$0x3FFE];
	_ =	sdelay $0x1  }
0x8a: {  	s1 =	srdreg.scid  }
0x8b: {  	s0 =	sand.u32 $0x1, s1  }
0x8c: {  	s17 =	sshll.u32 s0, $0xA;
	s2 =	sadd.s32 s3, s2  }
0x8d: {  	s2 =	sadd.s32 s2, s17  }
0x8e: {  	[smem:$0x3FBE] =	sst s2  }
0x8f: {  	_ = 	snop  }
0x90: {  	s2 =	sld [smem:$0x3FC9];
	(tm) =	ssettm $0x1  }
0x91: {  	s18 =	sld [smem:$0x3FFB];
	_ =	sdelay $0x3  }
0x92: {  	_ =	strace s18  }
0x93: {  	s3 =	sld [smem:$0x3FFC];
	_ =	sdelay $0x3  }
0x94: {  	_ =	strace s3  }
0x95: {  	s3 =	sld [smem:$0x3FFD];
	_ =	sdelay $0x3  }
0x96: {  	_ =	strace s3  }
0x97: {  	_ =	strace $0x8FFFFFFF  }
0x98: {  	s19 =	sld [smem:$0x3FDB];
	_ =	sdelay $0x1  }
0x99: {  	s4 =	simm.s32 $_scs_section_size  }
0x9a: {  	s5 =	simm.s32 $_size__tile_overlayer_lowered;
	s6 =	simm.s32 $_tile_overlayer_lowered  }
0x9b: {  	s22 =	simm.s32 $0x1BFF;
	s21 =	sshll.u32 s6, $0x1;
	s3 =	sadd.s32 s4, s19  }
0x9c: {  	s7 =	simm.s32 $0x0;
	s20 =	sshll.u32 s5, $0x1;
	s5 =	sadd.s32 s21, s3  }
0x9d: {  	[timem:s7], [sflag:s22] =	dma.local [hbm:s5], s20  }
0x9e: {  	_ =	swait.ge [sflag:s22], s20  }
0x9f: {  	s4 =	ssub.s32 $0x0, s20;
	[sflag:s22] =	ssyncset.done $0x0  }
0xa0: {  	[sflag:s22] =	ssyncadd.s32 s4;
	_ =	sdelay $0x1  }
0xa1: {  	s23 =	simm.s32 $0x1B8B  }
0xa2: {  	_ =	swait.ge [sflag:s23], $0x1  }
0xa3: {  	[sflag:s23] =	ssyncset.done $0x0  }
0xa4: {  	s25 =	simm.s32 $0x1B8E;
	s24 =	sld [smem:$0x3FFE];
	[sflag:s23] =	ssyncadd.s32 $0xFFFFFFFF  }
0xa5: {  	s26 =	simm.s32 $execute0_lowered;
	[smem:$0x3FD2] =	sst s25  }
0xa6: {  	s5 =	sshll.u32 s26, $0x1;
	_ =	strace $0x80000046;
	[dreg:$0x1] =	wrdreg $0xFFFFFFFF  }
0xa7: {  	s28 =	simm.s32 $_size_execute0_lowered;
	s3 =	sadd.s32 s3, s5;
	[dreg:$0x0] =	wrdreg $0x0  }
0xa8: {  	s5 =	sshll.u32 s28, $0x1;
	[dreg:$0x2] =	wrdreg s3  }
0xa9: {  	[dreg:$0x3] =	wrdreg s5  }
0xaa: {  	[dreg:$0x4] =	wrdreg $0xC0  }
0xab: {  	_ =	task [dreg:s7], $0x5FFFF  }
0xac: {  	[dreg:$0x1] =	wrdreg $0xFFFFFFFF  }
0xad: {  	[dreg:$0x0] =	wrdreg $0x60  }
0xae: {  	[dreg:$0x2] =	wrdreg s2  }
0xaf: {  	[dreg:$0x3] =	wrdreg s24  }
0xb0: {  	[dreg:$0x4] =	wrdreg $0xC3000  }
0xb1: {  	[dreg:$0x5] =	wrdreg $0x9  }
0xb2: {  	_ =	task.clear_ibuf [dreg:s7], $0x6FFFF;
	_ =	strace $0x90000046  }
0xb3: {  	s29 =	simm.s32 $0x9;
	_ =	strace $0x80000048  }
0xb4: {  	_ =	swait.ge [sflag:s29], $0x1  }
0xb5: {  	[sflag:s29] =	ssyncadd.s32 $0xFFFFFFFF  }
0xb6: {  	_ =	strace $0x90000048  }
0xb7: {  	_ =	sfence  }
0xb8: {  	s30 =	sld [smem:$0x0];
	_ =	sdelay $0x2  }
0xb9: {  	s31 =	sshll.u32 s1, $0xD;
	s1 =	sshrl.u32 s1, $0x2  }
0xba: {  	s3 =	sand.u32 $0x4000, s31;
	s1 =	sadd.s32 s1, s30  }
0xbb: {  	s0 =	sor.u32 s3, s0;
	s1 =	sshll.u32 s1, $0x11  }
0xbc: {  	s0 =	sor.u32 s1, s0  }
0xbd: {  	s0 =	sadd.s32 $0x8F2B, s0  }
0xbe: {  	[sflag:s0] =	ssyncadd.remote.s32 $0x1  }
0xbf: {  	_ =	sfence.sel $0xFFFF  }
0xc0: {  	[dreg:$0x0] =	wrdreg $0xFFFFFFFF;
	(pc) =	sbr.abs _section_cstart, $3  }
0xc1: {  	[dreg:$0x1] =	wrdreg $0xFFFFFFFF  }
0xc2: {  	_ =	task.clear_ibuf [dreg:s7], $0x2FFFF;
	_ =	strace $0x9FFFFFFF  }
0xc3: {  	(tm) =	ssettm $0x7FFFFFFF  }
tec
execute0_lowered:
.L_overlay_start_1:
0x0: {  	(tag) =	ssettag $0x1  }
0x1: {  	s1 =	rddreg [dreg:$0x0]  }
0x2: {  	s0 =	rddreg [dreg:$0x1]  }
0x3: {  	s2 =	rddreg [dreg:$0x2];
	s3 =	simm.s32 $0x0;
	s4 =	srdreg.scid  }
0x4: {  	s16 =	stileid.u32;
	s14 =	simm.s32 $0x300;
	s15 =	simm.s32 $0x1  }
0x5: {  	s17 =	simm.s32 $0x80;
	s18 =	simm.s32 $0x200;
	s28 =	simm.s32 $0x5  }
0x6: {  	s29 =	simm.s32 $0x6;
	s30 =	simm.s32 $0x7;
	s31 =	simm.s32 $0x8  }
0x7: {  	[smem:$0x7FF] =	sst s3;
	s7 =	sadd.s32 $0xCE00, s0;
	s4 =	sand.u32 $0x1, s4  }
0x8: {  	s8 =	sadd.s32 $0x3000, s0;
	s19 =	ssub.s32 $0x4D, s16;
	s20 =	sshll.u32 s16, $0xE  }
0x9: {  	s13 =	sshll.u32 s16, $0x4;
	s21 =	sadd.s32 $0x138000, s2;
	s26 =	sshll.u32 s16, $0xB  }
0xa: {  	p0 =	sne.s32 s16, $0xF;
	_ =	strace $0x80000047;
	s5 =	smul.u32 $0x27100, s4  }
0xb: {  	s6 =	ssub.s32 $0x2, s4;
	s10 =	sshll.u32 s4, $0x4;
	s11 =	sshrl.u32 s19, $0x4  }
0xc: {  	s12 =	sor.u32 $0x9C00, s13;
	[dreg:$0x4] =	wrdreg s21;
	s25 =	sshll.u32 s4, $0x8  }
0xd: {  	s19 =	simm.s32 $0x100;
	s21 =	simm.s32 $0x2;
	s9 =	sshrl.u32 s6, $0x1  }
0xe: {  	s10 =	sor.u32 s16, s10;
	s22 =	sadd.s32 s7, s12;
	s23 =	sadd.s32 s8, s12  }
0xf: {  	s11 =	sadd.s32 $0x1, s11;
	s4 =	sadd.s32 s25, s8;
	s16 =	simm.s32 $0x180  }
0x10: {  	s0 =	sadd.s32 s5, s0;
	s9 =	ssub.s32 s6, s9;
	[dreg:$0x5] =	wrdreg s22  }
0x11: {  	s5 =	sadd.s32 s20, s2;
	[dreg:$0x6] =	wrdreg s23;
	s12 =	sadd.s32 s13, s4  }
0x12: {  	s20 =	simm.s32 $0x280;
	s22 =	simm.s32 $0x4300;
	s23 =	simm.s32 $0x3  }
0x13: {  	p1 =	sgt.u32 s10, $0x3;
	s4 =	simm.s32 $0x0;
	s24 =	smax.u32 s9, $0x1  }
0x14: {  	s6 =	sadd.s32 $0x16C00, s0;
	s0 =	sadd.s32 s25, s7;
	[dreg:$0x8] =	wrdreg s24  }
0x15: {  	s13 =	sadd.s32 s13, s0;
	s24 =	simm.s32 $0x8300;
	[dreg:$0x7] =	wrdreg s6  }
0x16: {  	v0 =	vimm.f32 $0.0e+00;
	s9 =	sadd.s32 s6, s26;
	s26 =	simm.s32 $0x4;
	s0 =	simm.s32 $0x9  }
.LBB2_1:
0x17: {  	s7 =	sand.u32 $0xFE00, s3  }
0x18: {  	s8 =	sand.u32 $0x70, s3;
	s10 =	sshrl.u32 s7, $0x2  }
0x19: {  	s7 =	simm.s32 $0x40;
	s10 =	sor.u32 s8, s10;
	s8 =	simm.s32 $0x0  }
.LBB2_2:
0x1a: {  	p2 =	sne.s32 s7, $0xFFC0  }
0x1b: {  	[tilespmem:s10+$0x300] =	vst v0;
	s8 =	sadd.s32 $0x10, s8;
	s10 =	smov.u32 s7;
	s7 =	sadd.s32 $0x40, s7  }
.Ltmp0:
0x1c: {  	(pc) =	sbr.rel @p2 .LBB2_2-.Ltmp0, $4  }
0x1d: {  	_ = 	snop  }
0x1e: {  	s10 =	sand.u32 $0xFE00, s10  }
0x1f: {  	s25 =	sand.u32 $0x70, s8;
	s10 =	sshrl.u32 s10, $0x2  }
0x20: {  	s10 =	sor.u32 s25, s10  }
0x21: {  	p2 =	sne.s32 s11, $0x1  }
.Ltmp1:
0x22: {  	_ = 	snop;
	(pc) =	sbr.rel @!p2 .LBB2_5-.Ltmp1, $3  }
0x23: {  	_ =	sdelay $0x1  }
0x24: {  	[tilespmem:s10+$0x300] =	vst v0;
	s7 =	sadd.s32 $0xFFFFFFFF, s11;
	s8 =	smov.u32 s5  }
0x25: {  	[spmem:s5] =	stream.linear.scatter [tilespmem:s14], [sflag:$0x1], $0x4000, $0x38;
	[tilespmem:$0x1FB80] =	vst v63  }
.LBB2_4:
0x26: {  	p3 =	sne.s32 s7, $0x1  }
.Ltmp2:
0x27: {  	_ = 	snop;
	(pc) =	sbr.rel @p3 .LBB2_4-.Ltmp2, $3  }
0x28: {  	_ = 	snop  }
0x29: {  	s7 =	sadd.s32 $0xFFFFFFFF, s7;
	s8 =	sadd.s32 $0x40000, s8;
	_ =	sdelay $0x1  }
0x2a: {  	[spmem:s8] =	stream.linear.scatter [tilespmem:s14], [sflag:$0x1], $0x4000, $0x38;
	[tilespmem:$0x1FB80] =	vst v63  }
.LBB2_5:
.Ltmp3:
0x2b: {  	(pc) =	sbr.rel @!p2 .LBB2_7-.Ltmp3, $3  }
0x2c: {  	_ =	sdelay $0x1  }
0x2d: {  	_ =	swait.ge [sflag:s15], $0x4000  }
0x2e: {  	s7 =	sadd.s32 $0xFFFFFFFF, s11;
	[sflag:s15] =	ssyncset.done $0x0  }
.LBB2_6:
0x2f: {  	p3 =	sne.s32 s7, $0x1;
	s7 =	sadd.s32 $0xFFFFFFFF, s7;
	[sflag:s15] =	ssyncadd.s32 $0xFFFFC000  }
.Ltmp4:
0x30: {  	(pc) =	sbr.rel @p3 .LBB2_6-.Ltmp4, $3  }
0x31: {  	_ =	sdelay $0x1  }
0x32: {  	_ =	swait.ge [sflag:s15], $0x4000  }
0x33: {  	[sflag:s15] =	ssyncset.done $0x0  }
.LBB2_7:
0x34: {  	[sflag:s15] =	ssyncadd.s32 $0xFFFFC000;
	s7 =	simm.s32 @!p0 $0x300;
	s6 =	rddreg [dreg:$0x4]  }
0x35: {  	[spmem:s6] =	stream.linear.scatter @!p0 [tilespmem:s7], [sflag:$0xA], $0x800, $0x38;
	[tilespmem:$0x1FB80] =	vst v63  }
0x36: {  	s7 =	simm.s32 @!p0 $0xA  }
0x37: {  	_ =	swait.ge @!p0 [sflag:s7], $0x800  }
0x38: {  	[sflag:s7] =	ssyncset.done @!p0 $0x0  }
0x39: {  	[sflag:s7] =	ssyncadd.s32 @!p0 $0xFFFFF800  }
0x3a: {  	s25 =	sadd.s32 $0x0, s13;
	[bflag:$0x0] =	sbarrier.arrive $0xFFFF  }
0x3b: {  	[tilespmem:s3], [sflag:$0x1] =	stream.linear.gather [hbm4b:s25+s3], $0x80, $0x38;
	[tilespmem:$0x1FB80] =	vst v63  }
0x3c: {  	s8 =	sadd.s32 $0x0, s12  }
0x3d: {  	[tilespmem:s16], [sflag:$0x1] =	stream.linear.gather [hbm4b:s8+s3], $0x80, $0x38;
	[tilespmem:$0x1FB80] =	vst v63  }
0x3e: {  	s10 =	sadd.s32 $0x200, s25  }
0x3f: {  	[tilespmem:s17], [sflag:$0x2] =	stream.linear.gather [hbm4b:s10+s3], $0x80, $0x38;
	[tilespmem:$0x1FB80] =	vst v63  }
0x40: {  	s6 =	sadd.s32 $0x200, s8  }
0x41: {  	[tilespmem:s18], [sflag:$0x2] =	stream.linear.gather [hbm4b:s6+s3], $0x80, $0x38;
	[tilespmem:$0x1FB80] =	vst v63  }
0x42: {  	s7 =	sadd.s32 $0x400, s25  }
0x43: {  	[tilespmem:s19], [sflag:$0x3] =	stream.linear.gather [hbm4b:s7+s3], $0x80, $0x38;
	[tilespmem:$0x1FB80] =	vst v63  }
0x44: {  	s25 =	sadd.s32 $0x400, s8  }
0x45: {  	[tilespmem:s20], [sflag:$0x3] =	stream.linear.gather [hbm4b:s25+s3], $0x80, $0x38;
	[tilespmem:$0x1FB80] =	vst v63  }
0x46: {  	_ =	swait.ge [sflag:s15], $0x80  }
0x47: {  	[sflag:s15] =	ssyncset.done $0x0  }
0x48: {  	[sflag:s15] =	ssyncadd.s32 $0xFFFFFF80  }
0x49: {  	_ =	swait.ge [sflag:s15], $0x80  }
0x4a: {  	[sflag:s15] =	ssyncset.done $0x0  }
0x4b: {  	[sflag:s15] =	ssyncadd.s32 $0xFFFFFF80  }
0x4c: {  	[tilespmem:s14], [sflag:$0x4] =	stream.indirect.gather [hbm4b:s1+s17], $0x80, s3, s17, $0xb8;
	[tilespmem:$0x1FB80] =	vst v63  }
0x4d: {  	_ =	swait.ge [sflag:s21], $0x80  }
0x4e: {  	[sflag:s21] =	ssyncset.done $0x0  }
0x4f: {  	[sflag:s21] =	ssyncadd.s32 $0xFFFFFF80  }
0x50: {  	_ =	swait.ge [sflag:s21], $0x80  }
0x51: {  	[sflag:s21] =	ssyncset.done $0x0  }
0x52: {  	[sflag:s21] =	ssyncadd.s32 $0xFFFFFF80  }
0x53: {  	[tilespmem:s22], [sflag:$0x5] =	stream.indirect.gather [hbm4b:s1+s17], $0x80, s17, s17, $0xb8;
	[tilespmem:$0x1FB80] =	vst v63  }
0x54: {  	_ =	swait.ge [sflag:s23], $0x80  }
0x55: {  	[sflag:s23] =	ssyncset.done $0x0  }
0x56: {  	[sflag:s23] =	ssyncadd.s32 $0xFFFFFF80  }
0x57: {  	_ =	swait.ge [sflag:s23], $0x80  }
0x58: {  	[sflag:s23] =	ssyncset.done $0x0  }
0x59: {  	[sflag:s23] =	ssyncadd.s32 $0xFFFFFF80  }
0x5a: {  	[tilespmem:s24], [sflag:$0x6] =	stream.indirect.gather [hbm4b:s1+s17], $0x80, s19, s17, $0xb8;
	[tilespmem:$0x1FB80] =	vst v63  }
0x5b: {  	_ =	swait.ge [sflag:s26], $0x4000  }
0x5c: {  	[sflag:s26] =	ssyncset.done $0x0  }
0x5d: {  	[sflag:s26] =	ssyncadd.s32 $0xFFFFC000  }
0x5e: {  	[spmem:s2] =	stream.indirect.scatter.add.f32 [tilespmem:s14], [sflag:$0x7], $0x80, s16, s17, $0xb8;
	[tilespmem:$0x1FB80] =	vst v63  }
0x5f: {  	_ =	swait.ge [sflag:s28], $0x4000  }
0x60: {  	[sflag:s28] =	ssyncset.done $0x0  }
0x61: {  	[sflag:s28] =	ssyncadd.s32 $0xFFFFC000  }
0x62: {  	[spmem:s2] =	stream.indirect.scatter.add.f32 [tilespmem:s22], [sflag:$0x8], $0x80, s18, s17, $0xb8;
	[tilespmem:$0x1FB80] =	vst v63  }
0x63: {  	_ =	swait.ge [sflag:s29], $0x4000  }
0x64: {  	[sflag:s29] =	ssyncset.done $0x0  }
0x65: {  	[sflag:s29] =	ssyncadd.s32 $0xFFFFC000  }
0x66: {  	[spmem:s2] =	stream.indirect.scatter.add.f32 [tilespmem:s24], [sflag:$0x9], $0x80, s20, s17, $0xb8;
	[tilespmem:$0x1FB80] =	vst v63  }
0x67: {  	_ =	swait.ge [sflag:s30], $0x4000  }
0x68: {  	[sflag:s30] =	ssyncset.done $0x0  }
0x69: {  	[sflag:s30] =	ssyncadd.s32 $0xFFFFC000  }
0x6a: {  	_ =	swait.ge [sflag:s31], $0x4000  }
0x6b: {  	[sflag:s31] =	ssyncset.done $0x0  }
0x6c: {  	[sflag:s31] =	ssyncadd.s32 $0xFFFFC000  }
0x6d: {  	_ =	swait.ge [sflag:s0], $0x4000  }
0x6e: {  	s10 =	simm.s32 $0xC00;
	s7 =	simm.s32 $0x600;
	[sflag:s0] =	ssyncset.done $0x0  }
.LBB2_8:
0x6f: {  	s25 =	sadd.s32 s7, s13  }
0x70: {  	[sflag:s0] =	ssyncadd.s32 $0xFFFFC000;
	s6 =	smov.u32 s10;
	s8 =	sadd.s32 $0x600, s10  }
0x71: {  	[tilespmem:s3], [sflag:$0x1] =	stream.linear.gather [hbm4b:s25+s3], $0x80, $0x38;
	[tilespmem:$0x1FB80] =	vst v63  }
0x72: {  	p3 =	sne.s32 s10, $0x9600;
	s10 =	sadd.s32 s7, s12;
	s7 =	smov.u32 s6  }
0x73: {  	[tilespmem:s16], [sflag:$0x1] =	stream.linear.gather [hbm4b:s10+s3], $0x80, $0x38;
	[tilespmem:$0x1FB80] =	vst v63  }
0x74: {  	s6 =	sadd.s32 $0x200, s25  }
0x75: {  	[tilespmem:s17], [sflag:$0x2] =	stream.linear.gather [hbm4b:s6+s3], $0x80, $0x38;
	[tilespmem:$0x1FB80] =	vst v63  }
0x76: {  	s6 =	sadd.s32 $0x200, s10  }
0x77: {  	[tilespmem:s18], [sflag:$0x2] =	stream.linear.gather [hbm4b:s6+s3], $0x80, $0x38;
	[tilespmem:$0x1FB80] =	vst v63  }
0x78: {  	s6 =	sadd.s32 $0x400, s25  }
0x79: {  	[tilespmem:s19], [sflag:$0x3] =	stream.linear.gather [hbm4b:s6+s3], $0x80, $0x38;
	[tilespmem:$0x1FB80] =	vst v63  }
0x7a: {  	s6 =	sadd.s32 $0x400, s10  }
0x7b: {  	[tilespmem:s20], [sflag:$0x3] =	stream.linear.gather [hbm4b:s6+s3], $0x80, $0x38;
	[tilespmem:$0x1FB80] =	vst v63  }
0x7c: {  	_ =	swait.ge [sflag:s15], $0x80  }
0x7d: {  	[sflag:s15] =	ssyncset.done $0x0  }
0x7e: {  	[sflag:s15] =	ssyncadd.s32 $0xFFFFFF80  }
0x7f: {  	_ =	swait.ge [sflag:s15], $0x80  }
0x80: {  	[sflag:s15] =	ssyncset.done $0x0  }
0x81: {  	[sflag:s15] =	ssyncadd.s32 $0xFFFFFF80  }
0x82: {  	[tilespmem:s14], [sflag:$0x4] =	stream.indirect.gather [hbm4b:s1+s17], $0x80, s3, s17, $0xb8;
	[tilespmem:$0x1FB80] =	vst v63  }
0x83: {  	_ =	swait.ge [sflag:s21], $0x80  }
0x84: {  	[sflag:s21] =	ssyncset.done $0x0  }
0x85: {  	[sflag:s21] =	ssyncadd.s32 $0xFFFFFF80  }
0x86: {  	_ =	swait.ge [sflag:s21], $0x80  }
0x87: {  	[sflag:s21] =	ssyncset.done $0x0  }
0x88: {  	[sflag:s21] =	ssyncadd.s32 $0xFFFFFF80  }
0x89: {  	[tilespmem:s22], [sflag:$0x5] =	stream.indirect.gather [hbm4b:s1+s17], $0x80, s17, s17, $0xb8;
	[tilespmem:$0x1FB80] =	vst v63  }
0x8a: {  	_ =	swait.ge [sflag:s23], $0x80  }
0x8b: {  	[sflag:s23] =	ssyncset.done $0x0  }
0x8c: {  	[sflag:s23] =	ssyncadd.s32 $0xFFFFFF80  }
0x8d: {  	_ =	swait.ge [sflag:s23], $0x80  }
0x8e: {  	[sflag:s23] =	ssyncset.done $0x0  }
0x8f: {  	[sflag:s23] =	ssyncadd.s32 $0xFFFFFF80  }
0x90: {  	[tilespmem:s24], [sflag:$0x6] =	stream.indirect.gather [hbm4b:s1+s17], $0x80, s19, s17, $0xb8;
	[tilespmem:$0x1FB80] =	vst v63  }
0x91: {  	_ =	swait.ge [sflag:s26], $0x4000  }
0x92: {  	[sflag:s26] =	ssyncset.done $0x0  }
0x93: {  	[sflag:s26] =	ssyncadd.s32 $0xFFFFC000  }
0x94: {  	[spmem:s2] =	stream.indirect.scatter.add.f32 [tilespmem:s14], [sflag:$0x7], $0x80, s16, s17, $0xb8;
	[tilespmem:$0x1FB80] =	vst v63  }
0x95: {  	_ =	swait.ge [sflag:s28], $0x4000  }
0x96: {  	[sflag:s28] =	ssyncset.done $0x0  }
0x97: {  	[sflag:s28] =	ssyncadd.s32 $0xFFFFC000  }
0x98: {  	[spmem:s2] =	stream.indirect.scatter.add.f32 [tilespmem:s22], [sflag:$0x8], $0x80, s18, s17, $0xb8;
	[tilespmem:$0x1FB80] =	vst v63  }
0x99: {  	_ =	swait.ge [sflag:s29], $0x4000  }
0x9a: {  	[sflag:s29] =	ssyncset.done $0x0  }
0x9b: {  	[sflag:s29] =	ssyncadd.s32 $0xFFFFC000  }
0x9c: {  	[spmem:s2] =	stream.indirect.scatter.add.f32 [tilespmem:s24], [sflag:$0x9], $0x80, s20, s17, $0xb8;
	[tilespmem:$0x1FB80] =	vst v63  }
0x9d: {  	_ =	swait.ge [sflag:s30], $0x4000  }
0x9e: {  	[sflag:s30] =	ssyncset.done $0x0  }
0x9f: {  	[sflag:s30] =	ssyncadd.s32 $0xFFFFC000  }
.Ltmp5:
0xa0: {  	_ =	swait.ge [sflag:s31], $0x4000;
	(pc) =	sbr.rel @p3 .LBB2_8-.Ltmp5, $4  }
0xa1: {  	[sflag:s31] =	ssyncset.done $0x0  }
0xa2: {  	[sflag:s31] =	ssyncadd.s32 $0xFFFFC000  }
0xa3: {  	_ =	swait.ge [sflag:s0], $0x4000  }
0xa4: {  	s10 =	smov.u32 s8;
	[sflag:s0] =	ssyncset.done $0x0  }
0xa5: {  	s6 =	sadd.s32 s7, s13;
	[sflag:s0] =	ssyncadd.s32 $0xFFFFC000  }
0xa6: {  	[tilespmem:s3], [sflag:$0x1] =	stream.linear.gather [hbm4b:s6+s3], $0x80, $0x38;
	[tilespmem:$0x1FB80] =	vst v63  }
0xa7: {  	s10 =	sadd.s32 s7, s12  }
0xa8: {  	[tilespmem:s16], [sflag:$0x1] =	stream.linear.gather [hbm4b:s10+s3], $0x80, $0x38;
	[tilespmem:$0x1FB80] =	vst v63  }
0xa9: {  	s8 =	sadd.s32 $0x200, s6  }
0xaa: {  	[tilespmem:s17], [sflag:$0x2] =	stream.linear.gather [hbm4b:s8+s3], $0x80, $0x38;
	[tilespmem:$0x1FB80] =	vst v63  }
0xab: {  	s25 =	sadd.s32 $0x200, s10  }
0xac: {  	[tilespmem:s18], [sflag:$0x2] =	stream.linear.gather [hbm4b:s25+s3], $0x80, $0x38;
	[tilespmem:$0x1FB80] =	vst v63  }
0xad: {  	s6 =	sadd.s32 $0x400, s6  }
0xae: {  	[tilespmem:s19], [sflag:$0x3] =	stream.linear.gather [hbm4b:s6+s3], $0x80, $0x38;
	[tilespmem:$0x1FB80] =	vst v63  }
0xaf: {  	s8 =	sadd.s32 $0x400, s10  }
0xb0: {  	[tilespmem:s20], [sflag:$0x3] =	stream.linear.gather [hbm4b:s8+s3], $0x80, $0x38;
	[tilespmem:$0x1FB80] =	vst v63  }
0xb1: {  	_ =	swait.ge [sflag:s15], $0x80  }
0xb2: {  	[sflag:s15] =	ssyncset.done $0x0  }
0xb3: {  	[sflag:s15] =	ssyncadd.s32 $0xFFFFFF80  }
0xb4: {  	_ =	swait.ge [sflag:s15], $0x80  }
0xb5: {  	[sflag:s15] =	ssyncset.done $0x0  }
0xb6: {  	[sflag:s15] =	ssyncadd.s32 $0xFFFFFF80  }
0xb7: {  	[tilespmem:s14], [sflag:$0x4] =	stream.indirect.gather [hbm4b:s1+s17], $0x80, s3, s17, $0xb8;
	[tilespmem:$0x1FB80] =	vst v63  }
0xb8: {  	_ =	swait.ge [sflag:s21], $0x80  }
0xb9: {  	[sflag:s21] =	ssyncset.done $0x0  }
0xba: {  	[sflag:s21] =	ssyncadd.s32 $0xFFFFFF80  }
0xbb: {  	_ =	swait.ge [sflag:s21], $0x80  }
0xbc: {  	[sflag:s21] =	ssyncset.done $0x0  }
0xbd: {  	[sflag:s21] =	ssyncadd.s32 $0xFFFFFF80  }
0xbe: {  	[tilespmem:s22], [sflag:$0x5] =	stream.indirect.gather [hbm4b:s1+s17], $0x80, s17, s17, $0xb8;
	[tilespmem:$0x1FB80] =	vst v63  }
0xbf: {  	_ =	swait.ge [sflag:s23], $0x80  }
0xc0: {  	[sflag:s23] =	ssyncset.done $0x0  }
0xc1: {  	[sflag:s23] =	ssyncadd.s32 $0xFFFFFF80  }
0xc2: {  	_ =	swait.ge [sflag:s23], $0x80  }
0xc3: {  	[sflag:s23] =	ssyncset.done $0x0  }
0xc4: {  	[sflag:s23] =	ssyncadd.s32 $0xFFFFFF80  }
0xc5: {  	[tilespmem:s24], [sflag:$0x6] =	stream.indirect.gather [hbm4b:s1+s17], $0x80, s19, s17, $0xb8;
	[tilespmem:$0x1FB80] =	vst v63  }
0xc6: {  	_ =	swait.ge [sflag:s26], $0x4000  }
0xc7: {  	[sflag:s26] =	ssyncset.done $0x0  }
0xc8: {  	[sflag:s26] =	ssyncadd.s32 $0xFFFFC000  }
0xc9: {  	[spmem:s2] =	stream.indirect.scatter.add.f32 [tilespmem:s14], [sflag:$0x7], $0x80, s16, s17, $0xb8;
	[tilespmem:$0x1FB80] =	vst v63  }
0xca: {  	_ =	swait.ge [sflag:s28], $0x4000  }
0xcb: {  	[sflag:s28] =	ssyncset.done $0x0  }
0xcc: {  	[sflag:s28] =	ssyncadd.s32 $0xFFFFC000  }
0xcd: {  	[spmem:s2] =	stream.indirect.scatter.add.f32 [tilespmem:s22], [sflag:$0x8], $0x80, s18, s17, $0xb8;
	[tilespmem:$0x1FB80] =	vst v63  }
0xce: {  	_ =	swait.ge [sflag:s29], $0x4000  }
0xcf: {  	[sflag:s29] =	ssyncset.done $0x0  }
0xd0: {  	[sflag:s29] =	ssyncadd.s32 $0xFFFFC000  }
0xd1: {  	[spmem:s2] =	stream.indirect.scatter.add.f32 [tilespmem:s24], [sflag:$0x9], $0x80, s20, s17, $0xb8;
	[tilespmem:$0x1FB80] =	vst v63  }
0xd2: {  	_ =	swait.ge [sflag:s30], $0x4000  }
0xd3: {  	[sflag:s30] =	ssyncset.done $0x0  }
0xd4: {  	[sflag:s30] =	ssyncadd.s32 $0xFFFFC000  }
0xd5: {  	_ =	swait.ge [sflag:s31], $0x4000  }
0xd6: {  	[sflag:s31] =	ssyncset.done $0x0  }
0xd7: {  	[sflag:s31] =	ssyncadd.s32 $0xFFFFC000  }
0xd8: {  	_ =	swait.ge [sflag:s0], $0x4000  }
0xd9: {  	[sflag:s0] =	ssyncset.done $0x0  }
0xda: {  	s6 =	simm.s32 @!p1 $0x0;
	s7 =	rddreg [dreg:$0x5];
	[sflag:s0] =	ssyncadd.s32 $0xFFFFC000  }
0xdb: {  	[tilespmem:s6], [sflag:$0xA] =	stream.linear.gather @!p1 [hbm4b:s7+s6], $0x80, $0x38;
	[tilespmem:$0x1FB80] =	vst v63  }
0xdc: {  	s7 =	simm.s32 @!p1 $0xA  }
0xdd: {  	_ =	swait.ge @!p1 [sflag:s7], $0x80  }
0xde: {  	[sflag:s7] =	ssyncset.done @!p1 $0x0  }
0xdf: {  	s8 =	simm.s32 @!p1 $0x180;
	s10 =	rddreg [dreg:$0x6];
	[sflag:s7] =	ssyncadd.s32 @!p1 $0xFFFFFF80  }
0xe0: {  	[tilespmem:s8], [sflag:$0xA] =	stream.linear.gather @!p1 [hbm4b:s10+s6], $0x80, $0x38;
	[tilespmem:$0x1FB80] =	vst v63  }
0xe1: {  	_ =	swait.ge @!p1 [sflag:s7], $0x80  }
0xe2: {  	[sflag:s7] =	ssyncset.done @!p1 $0x0  }
0xe3: {  	s25 =	simm.s32 @!p1 $0x300;
	s10 =	simm.s32 @!p1 $0x80;
	[sflag:s7] =	ssyncadd.s32 @!p1 $0xFFFFFF80  }
0xe4: {  	[tilespmem:s25], [sflag:$0x4] =	stream.indirect.gather @!p1 [hbm4b:s1+s10], $0x80, s6, s10, $0xb8;
	[tilespmem:$0x1FB80] =	vst v63  }
0xe5: {  	s6 =	simm.s32 @!p1 $0x4  }
0xe6: {  	_ =	swait.ge @!p1 [sflag:s6], $0x4000  }
0xe7: {  	[sflag:s6] =	ssyncset.done @!p1 $0x0  }
0xe8: {  	[sflag:s6] =	ssyncadd.s32 @!p1 $0xFFFFC000  }
0xe9: {  	[spmem:s2] =	stream.indirect.scatter.add.f32 @!p1 [tilespmem:s25], [sflag:$0xA], $0x80, s8, s10, $0xb8;
	[tilespmem:$0x1FB80] =	vst v63  }
0xea: {  	_ =	swait.ge @!p1 [sflag:s7], $0x4000  }
.Ltmp6:
0xeb: {  	s10 =	stileid.u32;
	[sflag:s7] =	ssyncset.done @!p1 $0x0;
	(pc) =	sbr.rel @!p2 .LBB2_11-.Ltmp6, $4  }
0xec: {  	s6 =	sshll.u32 s10, $0x6;
	[sflag:s7] =	ssyncadd.s32 @!p1 $0xFFFFC000  }
0xed: {  	s25 =	sshrl.u32 s5, $0x3;
	s7 =	sor.u32 $0x1C07, s6;
	[bflag:$0x0] =	sbarrier.arrive $0xFFFF  }
0xee: {  	[hbm:s9], [sflag:s7] =	dma.local [spmem:s25], $0x800  }
0xef: {  	s8 =	sadd.s32 $0xFFFFFFFF, s11;
	s10 =	sadd.s32 $0x40000, s5;
	s25 =	smov.u32 s9  }
.LBB2_10:
0xf0: {  	p3 =	sne.s32 s8, $0x1;
	s8 =	sadd.s32 $0xFFFFFFFF, s8  }
.Ltmp7:
0xf1: {  	s6 =	sshrl.u32 s10, $0x3;
	s25 =	sadd.s32 $0x8000, s25;
	(pc) =	sbr.rel @p3 .LBB2_10-.Ltmp7, $3  }
0xf2: {  	[hbm:s25], [sflag:s7] =	dma.local [spmem:s6], $0x800  }
0xf3: {  	_ =	sdelay $0x1  }
0xf4: {  	s10 =	sadd.s32 $0x40000, s10  }
.LBB2_11:
.Ltmp8:
0xf5: {  	(pc) =	sbr.rel @!p2 .LBB2_13-.Ltmp8, $3  }
0xf6: {  	_ =	sdelay $0x1  }
0xf7: {  	_ =	swait.ge [sflag:s30], $0x800  }
0xf8: {  	s7 =	sadd.s32 $0xFFFFFFFF, s11;
	[sflag:s30] =	ssyncset.done $0x0  }
.LBB2_12:
0xf9: {  	p2 =	sne.s32 s7, $0x1;
	s7 =	sadd.s32 $0xFFFFFFFF, s7;
	[sflag:s30] =	ssyncadd.s32 $0xFFFFF800  }
.Ltmp9:
0xfa: {  	(pc) =	sbr.rel @p2 .LBB2_12-.Ltmp9, $3  }
0xfb: {  	_ =	sdelay $0x1  }
0xfc: {  	_ =	swait.ge [sflag:s30], $0x800  }
0xfd: {  	[sflag:s30] =	ssyncset.done $0x0  }
.LBB2_13:
0xfe: {  	s6 =	rddreg [dreg:$0x7]  }
0xff: {  	[sflag:s30] =	ssyncadd.s32 $0xFFFFF800;
	s7 =	rddreg [dreg:$0x4]  }
0x100: {  	s8 =	simm.s32 @!p0 $0x1FCA;
	s6 =	sadd.s32 @!p0 $0x27000, s6;
	s7 =	sshrl.u32 @!p0 s7, $0x3  }
0x101: {  	[hbm:s6], [sflag:s8] =	dma.local @!p0 [spmem:s7], $0x100  }
0x102: {  	s6 =	simm.s32 @!p0 $0xA  }
0x103: {  	_ =	swait.ge @!p0 [sflag:s6], $0x100  }
0x104: {  	s4 =	sadd.s32 $0x1, s4;
	s25 =	rddreg [dreg:$0x8]  }
0x105: {  	p2 =	sne.s32 s4, s25  }
.Ltmp10:
0x106: {  	_ = 	snop;
	(pc) =	sbr.rel @p2 .LBB2_1-.Ltmp10, $3  }
0x107: {  	_ =	sdelay $0x1  }
0x108: {  	[sflag:s6] =	ssyncset.done @!p0 $0x0  }
0x109: {  	[sflag:s6] =	ssyncadd.s32 @!p0 $0xFFFFFF00  }
0x10a: {  	_ =	sfence.sel $0x180000  }
0x10b: {  	[bflag:$0x0] =	sbarrier.arrive $0xFFFF  }
0x10c: {  	_ =	strace $0x90000047  }
0x10d: {  	s0 =	stileid.u32;
	[bflag:$0x2] =	sbarrier.arrive $0xFFFF  }
0x10e: {  	p0 =	sne.s32 s0, $0x0;
	s0 =	rddreg [dreg:$0x3]  }
0x10f: {  	s0 =	sadd.s32 @!p0 $0x100000, s0  }
0x110: {  	[sflag:s0] =	ssyncadd.tile.s32 @!p0 $0x1;
	_ =	shalt  }
.Lfunc_end2:
_tile_overlayer_lowered:
.L_overlay_start_2:
0x111: {  	(tag) =	ssettag $0x2  }
0x112: {  	s0 =	rddreg [dreg:$0x0];
	s2 =	stileid.u32  }
0x113: {  	s1 =	rddreg [dreg:$0x1];
	p0 =	sne.s32 s2, $0x0  }
0x114: {  	s3 =	rddreg [dreg:$0x2];
	[bflag:$0x3] =	sbarrier.arrive $0xFFFF;
	s2 =	simm.s32 @!p0 $0x1C0A  }
0x115: {  	[timem:s3], [sflag:s2] =	dma.local @!p0 [hbm:s0], s1  }
0x116: {  	s0 =	simm.s32 @!p0 $0xA  }
0x117: {  	_ =	swait.ge @!p0 [sflag:s0], s1  }
0x118: {  	s1 =	ssub.s32 @!p0 $0x0, s1;
	[sflag:s0] =	ssyncset.done @!p0 $0x0  }
0x119: {  	[sflag:s0] =	ssyncadd.s32 @!p0 s1  }
0x11a: {  	[bflag:$0x3] =	sbarrier.arrive $0xFFFF  }
0x11b: {  	_ =	shalt  }

// kernel: kernel.9.cloned.1.call-start
scs
__scs_entry_jumppad:
0x0: {  	(pc) =	sbr.rel $0x88, $3  }
0x1: {  	(tag) =	ssettag $0x0;
	lr =	simm.s32 $0x1  }
0x2: {  	[smem:$0x3F97] =	sst lr;
	_ =	strace $0xD0000000  }
0x3: {  	_ = 	snop  }
0x4: {  	_ = 	snop  }
0x5: {  	_ = 	snop  }
0x6: {  	_ = 	snop  }
0x7: {  	_ = 	snop  }
__scs_overlays_trampoline_lowered:
0x8: {  	[smem:$0x3FA6] =	sst s0  }
0x9: {  	[smem:$0x3FA7] =	sst s1  }
0xa: {  	[smem:$0x3FA8] =	sst s2  }
0xb: {  	[smem:$0x3FA9] =	sst s3  }
0xc: {  	[smem:$0x3FAA] =	sst s4  }
0xd: {  	[smem:$0x3FAB] =	sst s5  }
0xe: {  	[smem:$0x3FAC] =	sst s6  }
0xf: {  	[smem:$0x3FAD] =	sst s7  }
0x10: {  	[smem:$0x3FAE] =	sst s8  }
0x11: {  	[smem:$0x3FAF] =	sst s9;
	s0 =	simm.s32 @!p0 $0x0  }
0x12: {  	s1 =	sld [smem:$0x3F95];
	s0 =	simm.s32 @p0 $0x1  }
0x13: {  	[smem:$0x3FB0] =	sst s0;
	s0 =	simm.s32 @!p1 $0x0  }
0x14: {  	s2 =	sld [smem:$0x3F94];
	s0 =	simm.s32 @p1 $0x1  }
0x15: {  	[smem:$0x3FB1] =	sst s0;
	s0 =	simm.s32 @!p2 $0x0  }
0x16: {  	s3 =	sld [smem:$0x3FDB];
	s0 =	simm.s32 @p2 $0x1  }
0x17: {  	s4 =	simm.s32 $0x1BF5;
	[smem:$0x3FB3] =	sst s0  }
0x18: {  	s0 =	sld [smem:$0x3F96];
	_ =	swait.ge [sflag:s4], $0x0  }
0x19: {  	s7 =	sld [smem:$0x3F97]  }
0x1a: {  	s8 =	sadd.s32 $0xFFFFE003, lr  }
0x1b: {  	s9 =	sadd.s32 $0xFFFFFEF7, lr;
	s5 =	simm.s32 $0xFFFFFFFF;
	p2 =	slt.u32 s8, $0xFFFFF086  }
0x1c: {  	p1 =	slt.u32 s9, $0xF7A;
	s5 =	simm.s32 @!p2 $0x0  }
0x1d: {  	s5 =	simm.s32 @p1 $0x1;
	p0 =	seq.s32 s7, s2  }
0x1e: {  	s7 =	smul.u32 @!p0 $0xF7A, s2;
	p2 =	seq.s32 @!p0 s5, $0x0  }
0x1f: {  	s9 =	smul.u32 $0xF7A, s1;
	s8 =	simm.s32 @!p0 $0x1BF5;
	p2 =	por !p2, p0  }
0x20: {  	[sflag:s8] =	ssyncset.s32 @!p0 $0xFFFFF086;
	s6 =	sadd.s32 @!p0 s3, s7;
	s7 =	simm.s32 @!p0 $0x108  }
0x21: {  	s3 =	sadd.s32 s3, s9;
	s6 =	sadd.s32 @!p0 $0x88, s6;
	s7 =	simm.s32 @p2 $0x1082  }
0x22: {  	[simem:s7], [sflag:s8] =	dma.local @!p0 [hbm:s6], $0xF7A  }
0x23: {  	s9 =	sor.u32 $0xD0000000, s2;
	s6 =	simm.s32 $0x108;
	_ =	swait.ge @!p0 [sflag:s8], $0x0  }
0x24: {  	s3 =	sadd.s32 $0x88, s3;
	s6 =	simm.s32 @!p1 $0x1082;
	[sflag:s4] =	ssyncset.s32 $0xFFFFF086  }
0x25: {  	[simem:s6], [sflag:s4] =	dma.local [hbm:s3], $0xF7A  }
0x26: {  	[smem:$0x3F97] =	sst s1;
	(tag) =	ssettag s2;
	_ =	strace s9  }
0x27: {  	s1 =	sld [smem:$0x3FA7]  }
0x28: {  	s2 =	sld [smem:$0x3FA8]  }
0x29: {  	s4 =	sld [smem:$0x3FAA]  }
0x2a: {  	p0 =	seq.s32 s5, $0x0;
	s5 =	sld [smem:$0x3FAB]  }
0x2b: {  	s6 =	sld [smem:$0x3FAC]  }
0x2c: {  	s7 =	sld [smem:$0x3FAD]  }
0x2d: {  	s3 =	simm.s32 $0x108;
	s8 =	sld [smem:$0x3FAE]  }
0x2e: {  	s3 =	simm.s32 @!p0 $0x1082;
	s9 =	sld [smem:$0x3FAF]  }
0x2f: {  	lr =	sadd.s32 s0, s3;
	s0 =	sld [smem:$0x3FA6]  }
0x30: {  	s3 =	sld [smem:$0x3FA9]  }
0x31: {  	[smem:$0x3FB2] =	sst s10  }
0x32: {  	s10 =	sld [smem:$0x3FB0];
	_ =	sdelay $0x3  }
0x33: {  	p0 =	seq.s32 s10, $0x1;
	s10 =	sld [smem:$0x3FB2];
	_ =	sdelay $0x3  }
0x34: {  	[smem:$0x3FB2] =	sst s10  }
0x35: {  	s10 =	sld [smem:$0x3FB1];
	_ =	sdelay $0x3  }
0x36: {  	p1 =	seq.s32 s10, $0x1;
	s10 =	sld [smem:$0x3FB2];
	_ =	sdelay $0x3  }
0x37: {  	[smem:$0x3FB2] =	sst s10  }
0x38: {  	s10 =	sld [smem:$0x3FB3]  }
0x39: {  	_ = 	snop;
	(pc) =	sbr.ind lr, $3  }
0x3a: {  	_ = 	snop  }
0x3b: {  	_ = 	snop  }
0x3c: {  	p2 =	seq.s32 s10, $0x1;
	s10 =	sld [smem:$0x3FB2]  }
0x3d: {  	_ =	shalt  }
0x3e: {  	_ =	shalt  }
0x3f: {  	_ =	shalt  }
0x40: {  	_ =	shalt  }
0x41: {  	_ =	shalt  }
0x42: {  	_ =	shalt  }
0x43: {  	_ =	shalt  }
0x44: {  	_ =	shalt  }
0x45: {  	_ =	shalt  }
0x46: {  	_ =	shalt  }
0x47: {  	_ =	shalt  }
0x48: {  	_ =	shalt  }
0x49: {  	_ =	shalt  }
0x4a: {  	_ =	shalt  }
0x4b: {  	_ =	shalt  }
0x4c: {  	_ =	shalt  }
0x4d: {  	_ =	shalt  }
0x4e: {  	_ =	shalt  }
0x4f: {  	_ =	shalt  }
0x50: {  	_ =	shalt  }
0x51: {  	_ =	shalt  }
0x52: {  	_ =	shalt  }
0x53: {  	_ =	shalt  }
0x54: {  	_ =	shalt  }
0x55: {  	_ =	shalt  }
0x56: {  	_ =	shalt  }
0x57: {  	_ =	shalt  }
0x58: {  	_ =	shalt  }
0x59: {  	_ =	shalt  }
0x5a: {  	_ =	shalt  }
0x5b: {  	_ =	shalt  }
0x5c: {  	_ =	shalt  }
0x5d: {  	_ =	shalt  }
0x5e: {  	_ =	shalt  }
0x5f: {  	_ =	shalt  }
0x60: {  	_ =	shalt  }
0x61: {  	_ =	shalt  }
0x62: {  	_ =	shalt  }
0x63: {  	_ =	shalt  }
0x64: {  	_ =	shalt  }
0x65: {  	_ =	shalt  }
0x66: {  	_ =	shalt  }
0x67: {  	_ =	shalt  }
0x68: {  	_ =	shalt  }
0x69: {  	_ =	shalt  }
0x6a: {  	_ =	shalt  }
0x6b: {  	_ =	shalt  }
0x6c: {  	_ =	shalt  }
0x6d: {  	_ =	shalt  }
0x6e: {  	_ =	shalt  }
0x6f: {  	_ =	shalt  }
0x70: {  	_ =	shalt  }
0x71: {  	_ =	shalt  }
0x72: {  	_ =	shalt  }
0x73: {  	_ =	shalt  }
0x74: {  	_ =	shalt  }
0x75: {  	_ =	shalt  }
0x76: {  	_ =	shalt  }
0x77: {  	_ =	shalt  }
0x78: {  	_ =	shalt  }
0x79: {  	_ =	shalt  }
0x7a: {  	_ =	shalt  }
0x7b: {  	_ =	shalt  }
0x7c: {  	_ =	shalt  }
0x7d: {  	_ =	shalt  }
0x7e: {  	_ =	shalt  }
0x7f: {  	_ =	shalt  }
0x80: {  	_ =	shalt  }
0x81: {  	_ =	shalt  }
0x82: {  	_ =	shalt  }
0x83: {  	_ =	shalt  }
0x84: {  	_ =	shalt  }
0x85: {  	_ =	shalt  }
0x86: {  	_ =	shalt  }
0x87: {  	_ =	shalt  }
.Lfunc_end0:
.L_simem_size_0:
called_computation.1_lowered:
.L_overlay_start_0:
0x88: {  	s2 =	sld [smem:$0x3FD9]  }
0x89: {  	s3 =	sld [smem:$0x3FFE];
	_ =	sdelay $0x1  }
0x8a: {  	s1 =	srdreg.scid  }
0x8b: {  	s0 =	sand.u32 $0x1, s1  }
0x8c: {  	s17 =	sshll.u32 s0, $0xA;
	s2 =	sadd.s32 s3, s2  }
0x8d: {  	s2 =	sadd.s32 s2, s17  }
0x8e: {  	[smem:$0x3FBE] =	sst s2  }
0x8f: {  	_ = 	snop  }
0x90: {  	s2 =	sld [smem:$0x3FD0];
	(tm) =	ssettm $0x1  }
0x91: {  	s18 =	sld [smem:$0x3FFB];
	_ =	sdelay $0x3  }
0x92: {  	_ =	strace s18  }
0x93: {  	s3 =	sld [smem:$0x3FFC];
	_ =	sdelay $0x3  }
0x94: {  	_ =	strace s3  }
0x95: {  	s3 =	sld [smem:$0x3FFD];
	_ =	sdelay $0x3  }
0x96: {  	_ =	strace s3  }
0x97: {  	_ =	strace $0x8FFFFFFF  }
0x98: {  	s19 =	sld [smem:$0x3FDB];
	_ =	sdelay $0x1  }
0x99: {  	s4 =	simm.s32 $_scs_section_size  }
0x9a: {  	s5 =	simm.s32 $_size__tile_overlayer_lowered;
	s6 =	simm.s32 $_tile_overlayer_lowered  }
0x9b: {  	s22 =	simm.s32 $0x1BFF;
	s21 =	sshll.u32 s6, $0x1;
	s3 =	sadd.s32 s4, s19  }
0x9c: {  	s7 =	simm.s32 $0x0;
	s20 =	sshll.u32 s5, $0x1;
	s5 =	sadd.s32 s21, s3  }
0x9d: {  	[timem:s7], [sflag:s22] =	dma.local [hbm:s5], s20  }
0x9e: {  	_ =	swait.ge [sflag:s22], s20  }
0x9f: {  	s4 =	ssub.s32 $0x0, s20;
	[sflag:s22] =	ssyncset.done $0x0  }
0xa0: {  	[sflag:s22] =	ssyncadd.s32 s4;
	_ =	sdelay $0x1  }
0xa1: {  	s23 =	simm.s32 $0x1B8B  }
0xa2: {  	_ =	swait.ge [sflag:s23], $0x1  }
0xa3: {  	[sflag:s23] =	ssyncset.done $0x0  }
0xa4: {  	s25 =	simm.s32 $0x1B8E;
	s24 =	sld [smem:$0x3FFE];
	[sflag:s23] =	ssyncadd.s32 $0xFFFFFFFF  }
0xa5: {  	s26 =	simm.s32 $execute0_lowered;
	[smem:$0x3FD2] =	sst s25  }
0xa6: {  	s5 =	sshll.u32 s26, $0x1;
	_ =	strace $0x80000049;
	[dreg:$0x1] =	wrdreg $0xFFFFFFFF  }
0xa7: {  	s28 =	simm.s32 $_size_execute0_lowered;
	s3 =	sadd.s32 s3, s5;
	[dreg:$0x0] =	wrdreg $0x0  }
0xa8: {  	s5 =	sshll.u32 s28, $0x1;
	[dreg:$0x2] =	wrdreg s3  }
0xa9: {  	[dreg:$0x3] =	wrdreg s5  }
0xaa: {  	[dreg:$0x4] =	wrdreg $0xC0  }
0xab: {  	_ =	task [dreg:s7], $0x5FFFF  }
0xac: {  	[dreg:$0x1] =	wrdreg $0xFFFFFFFF  }
0xad: {  	[dreg:$0x0] =	wrdreg $0x60  }
0xae: {  	[dreg:$0x2] =	wrdreg s2  }
0xaf: {  	[dreg:$0x3] =	wrdreg s24  }
0xb0: {  	[dreg:$0x4] =	wrdreg $0xC3000  }
0xb1: {  	[dreg:$0x5] =	wrdreg $0x9  }
0xb2: {  	_ =	task.clear_ibuf [dreg:s7], $0x6FFFF;
	_ =	strace $0x90000049  }
0xb3: {  	s29 =	simm.s32 $0x9;
	_ =	strace $0x8000004B  }
0xb4: {  	_ =	swait.ge [sflag:s29], $0x1  }
0xb5: {  	[sflag:s29] =	ssyncadd.s32 $0xFFFFFFFF  }
0xb6: {  	_ =	strace $0x9000004B  }
0xb7: {  	_ =	sfence  }
0xb8: {  	s30 =	sld [smem:$0x0];
	_ =	sdelay $0x2  }
0xb9: {  	s31 =	sshll.u32 s1, $0xD;
	s1 =	sshrl.u32 s1, $0x2  }
0xba: {  	s3 =	sand.u32 $0x4000, s31;
	s1 =	sadd.s32 s1, s30  }
0xbb: {  	s0 =	sor.u32 s3, s0;
	s1 =	sshll.u32 s1, $0x11  }
0xbc: {  	s0 =	sor.u32 s1, s0  }
0xbd: {  	s0 =	sadd.s32 $0x8F2B, s0  }
0xbe: {  	[sflag:s0] =	ssyncadd.remote.s32 $0x1  }
0xbf: {  	_ =	sfence.sel $0xFFFF  }
0xc0: {  	[dreg:$0x0] =	wrdreg $0xFFFFFFFF;
	(pc) =	sbr.abs _section_cstart, $3  }
0xc1: {  	[dreg:$0x1] =	wrdreg $0xFFFFFFFF  }
0xc2: {  	_ =	task.clear_ibuf [dreg:s7], $0x2FFFF;
	_ =	strace $0x9FFFFFFF  }
0xc3: {  	(tm) =	ssettm $0x7FFFFFFF  }
tec
execute0_lowered:
.L_overlay_start_1:
0x0: {  	(tag) =	ssettag $0x1  }
0x1: {  	s1 =	rddreg [dreg:$0x0]  }
0x2: {  	s0 =	rddreg [dreg:$0x1]  }
0x3: {  	s2 =	rddreg [dreg:$0x2];
	s3 =	simm.s32 $0x0;
	s4 =	srdreg.scid  }
0x4: {  	s16 =	stileid.u32;
	s14 =	simm.s32 $0x300;
	s15 =	simm.s32 $0x1  }
0x5: {  	s17 =	simm.s32 $0x80;
	s18 =	simm.s32 $0x200;
	s28 =	simm.s32 $0x5  }
0x6: {  	s29 =	simm.s32 $0x6;
	s30 =	simm.s32 $0x7;
	s31 =	simm.s32 $0x8  }
0x7: {  	[smem:$0x7FF] =	sst s3;
	s7 =	sadd.s32 $0xCE00, s0;
	s4 =	sand.u32 $0x1, s4  }
0x8: {  	s8 =	sadd.s32 $0x3000, s0;
	s19 =	ssub.s32 $0x4D, s16;
	s20 =	sshll.u32 s16, $0xE  }
0x9: {  	s13 =	sshll.u32 s16, $0x4;
	s21 =	sadd.s32 $0x138000, s2;
	s26 =	sshll.u32 s16, $0xB  }
0xa: {  	p0 =	sne.s32 s16, $0xF;
	_ =	strace $0x8000004A;
	s5 =	smul.u32 $0x27100, s4  }
0xb: {  	s6 =	ssub.s32 $0x2, s4;
	s10 =	sshll.u32 s4, $0x4;
	s11 =	sshrl.u32 s19, $0x4  }
0xc: {  	s12 =	sor.u32 $0x9C00, s13;
	[dreg:$0x4] =	wrdreg s21;
	s25 =	sshll.u32 s4, $0x8  }
0xd: {  	s19 =	simm.s32 $0x100;
	s21 =	simm.s32 $0x2;
	s9 =	sshrl.u32 s6, $0x1  }
0xe: {  	s10 =	sor.u32 s16, s10;
	s22 =	sadd.s32 s7, s12;
	s23 =	sadd.s32 s8, s12  }
0xf: {  	s11 =	sadd.s32 $0x1, s11;
	s4 =	sadd.s32 s25, s8;
	s16 =	simm.s32 $0x180  }
0x10: {  	s0 =	sadd.s32 s5, s0;
	s9 =	ssub.s32 s6, s9;
	[dreg:$0x5] =	wrdreg s22  }
0x11: {  	s5 =	sadd.s32 s20, s2;
	[dreg:$0x6] =	wrdreg s23;
	s12 =	sadd.s32 s13, s4  }
0x12: {  	s20 =	simm.s32 $0x280;
	s22 =	simm.s32 $0x4300;
	s23 =	simm.s32 $0x3  }
0x13: {  	p1 =	sgt.u32 s10, $0x3;
	s4 =	simm.s32 $0x0;
	s24 =	smax.u32 s9, $0x1  }
0x14: {  	s6 =	sadd.s32 $0x16C00, s0;
	s0 =	sadd.s32 s25, s7;
	[dreg:$0x8] =	wrdreg s24  }
0x15: {  	s13 =	sadd.s32 s13, s0;
	s24 =	simm.s32 $0x8300;
	[dreg:$0x7] =	wrdreg s6  }
0x16: {  	v0 =	vimm.f32 $0.0e+00;
	s9 =	sadd.s32 s6, s26;
	s26 =	simm.s32 $0x4;
	s0 =	simm.s32 $0x9  }
.LBB2_1:
0x17: {  	s7 =	sand.u32 $0xFE00, s3  }
0x18: {  	s8 =	sand.u32 $0x70, s3;
	s10 =	sshrl.u32 s7, $0x2  }
0x19: {  	s7 =	simm.s32 $0x40;
	s10 =	sor.u32 s8, s10;
	s8 =	simm.s32 $0x0  }
.LBB2_2:
0x1a: {  	p2 =	sne.s32 s7, $0xFFC0  }
0x1b: {  	[tilespmem:s10+$0x300] =	vst v0;
	s8 =	sadd.s32 $0x10, s8;
	s10 =	smov.u32 s7;
	s7 =	sadd.s32 $0x40, s7  }
.Ltmp0:
0x1c: {  	(pc) =	sbr.rel @p2 .LBB2_2-.Ltmp0, $4  }
0x1d: {  	_ = 	snop  }
0x1e: {  	s10 =	sand.u32 $0xFE00, s10  }
0x1f: {  	s25 =	sand.u32 $0x70, s8;
	s10 =	sshrl.u32 s10, $0x2  }
0x20: {  	s10 =	sor.u32 s25, s10  }
0x21: {  	p2 =	sne.s32 s11, $0x1  }
.Ltmp1:
0x22: {  	_ = 	snop;
	(pc) =	sbr.rel @!p2 .LBB2_5-.Ltmp1, $3  }
0x23: {  	_ =	sdelay $0x1  }
0x24: {  	[tilespmem:s10+$0x300] =	vst v0;
	s7 =	sadd.s32 $0xFFFFFFFF, s11;
	s8 =	smov.u32 s5  }
0x25: {  	[spmem:s5] =	stream.linear.scatter [tilespmem:s14], [sflag:$0x1], $0x4000, $0x38;
	[tilespmem:$0x1FB80] =	vst v63  }
.LBB2_4:
0x26: {  	p3 =	sne.s32 s7, $0x1  }
.Ltmp2:
0x27: {  	_ = 	snop;
	(pc) =	sbr.rel @p3 .LBB2_4-.Ltmp2, $3  }
0x28: {  	_ = 	snop  }
0x29: {  	s7 =	sadd.s32 $0xFFFFFFFF, s7;
	s8 =	sadd.s32 $0x40000, s8;
	_ =	sdelay $0x1  }
0x2a: {  	[spmem:s8] =	stream.linear.scatter [tilespmem:s14], [sflag:$0x1], $0x4000, $0x38;
	[tilespmem:$0x1FB80] =	vst v63  }
.LBB2_5:
.Ltmp3:
0x2b: {  	(pc) =	sbr.rel @!p2 .LBB2_7-.Ltmp3, $3  }
0x2c: {  	_ =	sdelay $0x1  }
0x2d: {  	_ =	swait.ge [sflag:s15], $0x4000  }
0x2e: {  	s7 =	sadd.s32 $0xFFFFFFFF, s11;
	[sflag:s15] =	ssyncset.done $0x0  }
.LBB2_6:
0x2f: {  	p3 =	sne.s32 s7, $0x1;
	s7 =	sadd.s32 $0xFFFFFFFF, s7;
	[sflag:s15] =	ssyncadd.s32 $0xFFFFC000  }
.Ltmp4:
0x30: {  	(pc) =	sbr.rel @p3 .LBB2_6-.Ltmp4, $3  }
0x31: {  	_ =	sdelay $0x1  }
0x32: {  	_ =	swait.ge [sflag:s15], $0x4000  }
0x33: {  	[sflag:s15] =	ssyncset.done $0x0  }
.LBB2_7:
0x34: {  	[sflag:s15] =	ssyncadd.s32 $0xFFFFC000;
	s7 =	simm.s32 @!p0 $0x300;
	s6 =	rddreg [dreg:$0x4]  }
0x35: {  	[spmem:s6] =	stream.linear.scatter @!p0 [tilespmem:s7], [sflag:$0xA], $0x800, $0x38;
	[tilespmem:$0x1FB80] =	vst v63  }
0x36: {  	s7 =	simm.s32 @!p0 $0xA  }
0x37: {  	_ =	swait.ge @!p0 [sflag:s7], $0x800  }
0x38: {  	[sflag:s7] =	ssyncset.done @!p0 $0x0  }
0x39: {  	[sflag:s7] =	ssyncadd.s32 @!p0 $0xFFFFF800  }
0x3a: {  	s25 =	sadd.s32 $0x0, s13;
	[bflag:$0x0] =	sbarrier.arrive $0xFFFF  }
0x3b: {  	[tilespmem:s3], [sflag:$0x1] =	stream.linear.gather [hbm4b:s25+s3], $0x80, $0x38;
	[tilespmem:$0x1FB80] =	vst v63  }
0x3c: {  	s8 =	sadd.s32 $0x0, s12  }
0x3d: {  	[tilespmem:s16], [sflag:$0x1] =	stream.linear.gather [hbm4b:s8+s3], $0x80, $0x38;
	[tilespmem:$0x1FB80] =	vst v63  }
0x3e: {  	s10 =	sadd.s32 $0x200, s25  }
0x3f: {  	[tilespmem:s17], [sflag:$0x2] =	stream.linear.gather [hbm4b:s10+s3], $0x80, $0x38;
	[tilespmem:$0x1FB80] =	vst v63  }
0x40: {  	s6 =	sadd.s32 $0x200, s8  }
0x41: {  	[tilespmem:s18], [sflag:$0x2] =	stream.linear.gather [hbm4b:s6+s3], $0x80, $0x38;
	[tilespmem:$0x1FB80] =	vst v63  }
0x42: {  	s7 =	sadd.s32 $0x400, s25  }
0x43: {  	[tilespmem:s19], [sflag:$0x3] =	stream.linear.gather [hbm4b:s7+s3], $0x80, $0x38;
	[tilespmem:$0x1FB80] =	vst v63  }
0x44: {  	s25 =	sadd.s32 $0x400, s8  }
0x45: {  	[tilespmem:s20], [sflag:$0x3] =	stream.linear.gather [hbm4b:s25+s3], $0x80, $0x38;
	[tilespmem:$0x1FB80] =	vst v63  }
0x46: {  	_ =	swait.ge [sflag:s15], $0x80  }
0x47: {  	[sflag:s15] =	ssyncset.done $0x0  }
0x48: {  	[sflag:s15] =	ssyncadd.s32 $0xFFFFFF80  }
0x49: {  	_ =	swait.ge [sflag:s15], $0x80  }
0x4a: {  	[sflag:s15] =	ssyncset.done $0x0  }
0x4b: {  	[sflag:s15] =	ssyncadd.s32 $0xFFFFFF80  }
0x4c: {  	[tilespmem:s14], [sflag:$0x4] =	stream.indirect.gather [hbm4b:s1+s17], $0x80, s3, s17, $0xb8;
	[tilespmem:$0x1FB80] =	vst v63  }
0x4d: {  	_ =	swait.ge [sflag:s21], $0x80  }
0x4e: {  	[sflag:s21] =	ssyncset.done $0x0  }
0x4f: {  	[sflag:s21] =	ssyncadd.s32 $0xFFFFFF80  }
0x50: {  	_ =	swait.ge [sflag:s21], $0x80  }
0x51: {  	[sflag:s21] =	ssyncset.done $0x0  }
0x52: {  	[sflag:s21] =	ssyncadd.s32 $0xFFFFFF80  }
0x53: {  	[tilespmem:s22], [sflag:$0x5] =	stream.indirect.gather [hbm4b:s1+s17], $0x80, s17, s17, $0xb8;
	[tilespmem:$0x1FB80] =	vst v63  }
0x54: {  	_ =	swait.ge [sflag:s23], $0x80  }
0x55: {  	[sflag:s23] =	ssyncset.done $0x0  }
0x56: {  	[sflag:s23] =	ssyncadd.s32 $0xFFFFFF80  }
0x57: {  	_ =	swait.ge [sflag:s23], $0x80  }
0x58: {  	[sflag:s23] =	ssyncset.done $0x0  }
0x59: {  	[sflag:s23] =	ssyncadd.s32 $0xFFFFFF80  }
0x5a: {  	[tilespmem:s24], [sflag:$0x6] =	stream.indirect.gather [hbm4b:s1+s17], $0x80, s19, s17, $0xb8;
	[tilespmem:$0x1FB80] =	vst v63  }
0x5b: {  	_ =	swait.ge [sflag:s26], $0x4000  }
0x5c: {  	[sflag:s26] =	ssyncset.done $0x0  }
0x5d: {  	[sflag:s26] =	ssyncadd.s32 $0xFFFFC000  }
0x5e: {  	[spmem:s2] =	stream.indirect.scatter.add.f32 [tilespmem:s14], [sflag:$0x7], $0x80, s16, s17, $0xb8;
	[tilespmem:$0x1FB80] =	vst v63  }
0x5f: {  	_ =	swait.ge [sflag:s28], $0x4000  }
0x60: {  	[sflag:s28] =	ssyncset.done $0x0  }
0x61: {  	[sflag:s28] =	ssyncadd.s32 $0xFFFFC000  }
0x62: {  	[spmem:s2] =	stream.indirect.scatter.add.f32 [tilespmem:s22], [sflag:$0x8], $0x80, s18, s17, $0xb8;
	[tilespmem:$0x1FB80] =	vst v63  }
0x63: {  	_ =	swait.ge [sflag:s29], $0x4000  }
0x64: {  	[sflag:s29] =	ssyncset.done $0x0  }
0x65: {  	[sflag:s29] =	ssyncadd.s32 $0xFFFFC000  }
0x66: {  	[spmem:s2] =	stream.indirect.scatter.add.f32 [tilespmem:s24], [sflag:$0x9], $0x80, s20, s17, $0xb8;
	[tilespmem:$0x1FB80] =	vst v63  }
0x67: {  	_ =	swait.ge [sflag:s30], $0x4000  }
0x68: {  	[sflag:s30] =	ssyncset.done $0x0  }
0x69: {  	[sflag:s30] =	ssyncadd.s32 $0xFFFFC000  }
0x6a: {  	_ =	swait.ge [sflag:s31], $0x4000  }
0x6b: {  	[sflag:s31] =	ssyncset.done $0x0  }
0x6c: {  	[sflag:s31] =	ssyncadd.s32 $0xFFFFC000  }
0x6d: {  	_ =	swait.ge [sflag:s0], $0x4000  }
0x6e: {  	s10 =	simm.s32 $0xC00;
	s7 =	simm.s32 $0x600;
	[sflag:s0] =	ssyncset.done $0x0  }
.LBB2_8:
0x6f: {  	s25 =	sadd.s32 s7, s13  }
0x70: {  	[sflag:s0] =	ssyncadd.s32 $0xFFFFC000;
	s6 =	smov.u32 s10;
	s8 =	sadd.s32 $0x600, s10  }
0x71: {  	[tilespmem:s3], [sflag:$0x1] =	stream.linear.gather [hbm4b:s25+s3], $0x80, $0x38;
	[tilespmem:$0x1FB80] =	vst v63  }
0x72: {  	p3 =	sne.s32 s10, $0x9600;
	s10 =	sadd.s32 s7, s12;
	s7 =	smov.u32 s6  }
0x73: {  	[tilespmem:s16], [sflag:$0x1] =	stream.linear.gather [hbm4b:s10+s3], $0x80, $0x38;
	[tilespmem:$0x1FB80] =	vst v63  }
0x74: {  	s6 =	sadd.s32 $0x200, s25  }
0x75: {  	[tilespmem:s17], [sflag:$0x2] =	stream.linear.gather [hbm4b:s6+s3], $0x80, $0x38;
	[tilespmem:$0x1FB80] =	vst v63  }
0x76: {  	s6 =	sadd.s32 $0x200, s10  }
0x77: {  	[tilespmem:s18], [sflag:$0x2] =	stream.linear.gather [hbm4b:s6+s3], $0x80, $0x38;
	[tilespmem:$0x1FB80] =	vst v63  }
0x78: {  	s6 =	sadd.s32 $0x400, s25  }
0x79: {  	[tilespmem:s19], [sflag:$0x3] =	stream.linear.gather [hbm4b:s6+s3], $0x80, $0x38;
	[tilespmem:$0x1FB80] =	vst v63  }
0x7a: {  	s6 =	sadd.s32 $0x400, s10  }
0x7b: {  	[tilespmem:s20], [sflag:$0x3] =	stream.linear.gather [hbm4b:s6+s3], $0x80, $0x38;
	[tilespmem:$0x1FB80] =	vst v63  }
0x7c: {  	_ =	swait.ge [sflag:s15], $0x80  }
0x7d: {  	[sflag:s15] =	ssyncset.done $0x0  }
0x7e: {  	[sflag:s15] =	ssyncadd.s32 $0xFFFFFF80  }
0x7f: {  	_ =	swait.ge [sflag:s15], $0x80  }
0x80: {  	[sflag:s15] =	ssyncset.done $0x0  }
0x81: {  	[sflag:s15] =	ssyncadd.s32 $0xFFFFFF80  }
0x82: {  	[tilespmem:s14], [sflag:$0x4] =	stream.indirect.gather [hbm4b:s1+s17], $0x80, s3, s17, $0xb8;
	[tilespmem:$0x1FB80] =	vst v63  }
0x83: {  	_ =	swait.ge [sflag:s21], $0x80  }
0x84: {  	[sflag:s21] =	ssyncset.done $0x0  }
0x85: {  	[sflag:s21] =	ssyncadd.s32 $0xFFFFFF80  }
0x86: {  	_ =	swait.ge [sflag:s21], $0x80  }
0x87: {  	[sflag:s21] =	ssyncset.done $0x0  }
0x88: {  	[sflag:s21] =	ssyncadd.s32 $0xFFFFFF80  }
0x89: {  	[tilespmem:s22], [sflag:$0x5] =	stream.indirect.gather [hbm4b:s1+s17], $0x80, s17, s17, $0xb8;
	[tilespmem:$0x1FB80] =	vst v63  }
0x8a: {  	_ =	swait.ge [sflag:s23], $0x80  }
0x8b: {  	[sflag:s23] =	ssyncset.done $0x0  }
0x8c: {  	[sflag:s23] =	ssyncadd.s32 $0xFFFFFF80  }
0x8d: {  	_ =	swait.ge [sflag:s23], $0x80  }
0x8e: {  	[sflag:s23] =	ssyncset.done $0x0  }
0x8f: {  	[sflag:s23] =	ssyncadd.s32 $0xFFFFFF80  }
0x90: {  	[tilespmem:s24], [sflag:$0x6] =	stream.indirect.gather [hbm4b:s1+s17], $0x80, s19, s17, $0xb8;
	[tilespmem:$0x1FB80] =	vst v63  }
0x91: {  	_ =	swait.ge [sflag:s26], $0x4000  }
0x92: {  	[sflag:s26] =	ssyncset.done $0x0  }
0x93: {  	[sflag:s26] =	ssyncadd.s32 $0xFFFFC000  }
0x94: {  	[spmem:s2] =	stream.indirect.scatter.add.f32 [tilespmem:s14], [sflag:$0x7], $0x80, s16, s17, $0xb8;
	[tilespmem:$0x1FB80] =	vst v63  }
0x95: {  	_ =	swait.ge [sflag:s28], $0x4000  }
0x96: {  	[sflag:s28] =	ssyncset.done $0x0  }
0x97: {  	[sflag:s28] =	ssyncadd.s32 $0xFFFFC000  }
0x98: {  	[spmem:s2] =	stream.indirect.scatter.add.f32 [tilespmem:s22], [sflag:$0x8], $0x80, s18, s17, $0xb8;
	[tilespmem:$0x1FB80] =	vst v63  }
0x99: {  	_ =	swait.ge [sflag:s29], $0x4000  }
0x9a: {  	[sflag:s29] =	ssyncset.done $0x0  }
0x9b: {  	[sflag:s29] =	ssyncadd.s32 $0xFFFFC000  }
0x9c: {  	[spmem:s2] =	stream.indirect.scatter.add.f32 [tilespmem:s24], [sflag:$0x9], $0x80, s20, s17, $0xb8;
	[tilespmem:$0x1FB80] =	vst v63  }
0x9d: {  	_ =	swait.ge [sflag:s30], $0x4000  }
0x9e: {  	[sflag:s30] =	ssyncset.done $0x0  }
0x9f: {  	[sflag:s30] =	ssyncadd.s32 $0xFFFFC000  }
.Ltmp5:
0xa0: {  	_ =	swait.ge [sflag:s31], $0x4000;
	(pc) =	sbr.rel @p3 .LBB2_8-.Ltmp5, $4  }
0xa1: {  	[sflag:s31] =	ssyncset.done $0x0  }
0xa2: {  	[sflag:s31] =	ssyncadd.s32 $0xFFFFC000  }
0xa3: {  	_ =	swait.ge [sflag:s0], $0x4000  }
0xa4: {  	s10 =	smov.u32 s8;
	[sflag:s0] =	ssyncset.done $0x0  }
0xa5: {  	s6 =	sadd.s32 s7, s13;
	[sflag:s0] =	ssyncadd.s32 $0xFFFFC000  }
0xa6: {  	[tilespmem:s3], [sflag:$0x1] =	stream.linear.gather [hbm4b:s6+s3], $0x80, $0x38;
	[tilespmem:$0x1FB80] =	vst v63  }
0xa7: {  	s10 =	sadd.s32 s7, s12  }
0xa8: {  	[tilespmem:s16], [sflag:$0x1] =	stream.linear.gather [hbm4b:s10+s3], $0x80, $0x38;
	[tilespmem:$0x1FB80] =	vst v63  }
0xa9: {  	s8 =	sadd.s32 $0x200, s6  }
0xaa: {  	[tilespmem:s17], [sflag:$0x2] =	stream.linear.gather [hbm4b:s8+s3], $0x80, $0x38;
	[tilespmem:$0x1FB80] =	vst v63  }
0xab: {  	s25 =	sadd.s32 $0x200, s10  }
0xac: {  	[tilespmem:s18], [sflag:$0x2] =	stream.linear.gather [hbm4b:s25+s3], $0x80, $0x38;
	[tilespmem:$0x1FB80] =	vst v63  }
0xad: {  	s6 =	sadd.s32 $0x400, s6  }
0xae: {  	[tilespmem:s19], [sflag:$0x3] =	stream.linear.gather [hbm4b:s6+s3], $0x80, $0x38;
	[tilespmem:$0x1FB80] =	vst v63  }
0xaf: {  	s8 =	sadd.s32 $0x400, s10  }
0xb0: {  	[tilespmem:s20], [sflag:$0x3] =	stream.linear.gather [hbm4b:s8+s3], $0x80, $0x38;
	[tilespmem:$0x1FB80] =	vst v63  }
0xb1: {  	_ =	swait.ge [sflag:s15], $0x80  }
0xb2: {  	[sflag:s15] =	ssyncset.done $0x0  }
0xb3: {  	[sflag:s15] =	ssyncadd.s32 $0xFFFFFF80  }
0xb4: {  	_ =	swait.ge [sflag:s15], $0x80  }
0xb5: {  	[sflag:s15] =	ssyncset.done $0x0  }
0xb6: {  	[sflag:s15] =	ssyncadd.s32 $0xFFFFFF80  }
0xb7: {  	[tilespmem:s14], [sflag:$0x4] =	stream.indirect.gather [hbm4b:s1+s17], $0x80, s3, s17, $0xb8;
	[tilespmem:$0x1FB80] =	vst v63  }
0xb8: {  	_ =	swait.ge [sflag:s21], $0x80  }
0xb9: {  	[sflag:s21] =	ssyncset.done $0x0  }
0xba: {  	[sflag:s21] =	ssyncadd.s32 $0xFFFFFF80  }
0xbb: {  	_ =	swait.ge [sflag:s21], $0x80  }
0xbc: {  	[sflag:s21] =	ssyncset.done $0x0  }
0xbd: {  	[sflag:s21] =	ssyncadd.s32 $0xFFFFFF80  }
0xbe: {  	[tilespmem:s22], [sflag:$0x5] =	stream.indirect.gather [hbm4b:s1+s17], $0x80, s17, s17, $0xb8;
	[tilespmem:$0x1FB80] =	vst v63  }
0xbf: {  	_ =	swait.ge [sflag:s23], $0x80  }
0xc0: {  	[sflag:s23] =	ssyncset.done $0x0  }
0xc1: {  	[sflag:s23] =	ssyncadd.s32 $0xFFFFFF80  }
0xc2: {  	_ =	swait.ge [sflag:s23], $0x80  }
0xc3: {  	[sflag:s23] =	ssyncset.done $0x0  }
0xc4: {  	[sflag:s23] =	ssyncadd.s32 $0xFFFFFF80  }
0xc5: {  	[tilespmem:s24], [sflag:$0x6] =	stream.indirect.gather [hbm4b:s1+s17], $0x80, s19, s17, $0xb8;
	[tilespmem:$0x1FB80] =	vst v63  }
0xc6: {  	_ =	swait.ge [sflag:s26], $0x4000  }
0xc7: {  	[sflag:s26] =	ssyncset.done $0x0  }
0xc8: {  	[sflag:s26] =	ssyncadd.s32 $0xFFFFC000  }
0xc9: {  	[spmem:s2] =	stream.indirect.scatter.add.f32 [tilespmem:s14], [sflag:$0x7], $0x80, s16, s17, $0xb8;
	[tilespmem:$0x1FB80] =	vst v63  }
0xca: {  	_ =	swait.ge [sflag:s28], $0x4000  }
0xcb: {  	[sflag:s28] =	ssyncset.done $0x0  }
0xcc: {  	[sflag:s28] =	ssyncadd.s32 $0xFFFFC000  }
0xcd: {  	[spmem:s2] =	stream.indirect.scatter.add.f32 [tilespmem:s22], [sflag:$0x8], $0x80, s18, s17, $0xb8;
	[tilespmem:$0x1FB80] =	vst v63  }
0xce: {  	_ =	swait.ge [sflag:s29], $0x4000  }
0xcf: {  	[sflag:s29] =	ssyncset.done $0x0  }
0xd0: {  	[sflag:s29] =	ssyncadd.s32 $0xFFFFC000  }
0xd1: {  	[spmem:s2] =	stream.indirect.scatter.add.f32 [tilespmem:s24], [sflag:$0x9], $0x80, s20, s17, $0xb8;
	[tilespmem:$0x1FB80] =	vst v63  }
0xd2: {  	_ =	swait.ge [sflag:s30], $0x4000  }
0xd3: {  	[sflag:s30] =	ssyncset.done $0x0  }
0xd4: {  	[sflag:s30] =	ssyncadd.s32 $0xFFFFC000  }
0xd5: {  	_ =	swait.ge [sflag:s31], $0x4000  }
0xd6: {  	[sflag:s31] =	ssyncset.done $0x0  }
0xd7: {  	[sflag:s31] =	ssyncadd.s32 $0xFFFFC000  }
0xd8: {  	_ =	swait.ge [sflag:s0], $0x4000  }
0xd9: {  	[sflag:s0] =	ssyncset.done $0x0  }
0xda: {  	s6 =	simm.s32 @!p1 $0x0;
	s7 =	rddreg [dreg:$0x5];
	[sflag:s0] =	ssyncadd.s32 $0xFFFFC000  }
0xdb: {  	[tilespmem:s6], [sflag:$0xA] =	stream.linear.gather @!p1 [hbm4b:s7+s6], $0x80, $0x38;
	[tilespmem:$0x1FB80] =	vst v63  }
0xdc: {  	s7 =	simm.s32 @!p1 $0xA  }
0xdd: {  	_ =	swait.ge @!p1 [sflag:s7], $0x80  }
0xde: {  	[sflag:s7] =	ssyncset.done @!p1 $0x0  }
0xdf: {  	s8 =	simm.s32 @!p1 $0x180;
	s10 =	rddreg [dreg:$0x6];
	[sflag:s7] =	ssyncadd.s32 @!p1 $0xFFFFFF80  }
0xe0: {  	[tilespmem:s8], [sflag:$0xA] =	stream.linear.gather @!p1 [hbm4b:s10+s6], $0x80, $0x38;
	[tilespmem:$0x1FB80] =	vst v63  }
0xe1: {  	_ =	swait.ge @!p1 [sflag:s7], $0x80  }
0xe2: {  	[sflag:s7] =	ssyncset.done @!p1 $0x0  }
0xe3: {  	s25 =	simm.s32 @!p1 $0x300;
	s10 =	simm.s32 @!p1 $0x80;
	[sflag:s7] =	ssyncadd.s32 @!p1 $0xFFFFFF80  }
0xe4: {  	[tilespmem:s25], [sflag:$0x4] =	stream.indirect.gather @!p1 [hbm4b:s1+s10], $0x80, s6, s10, $0xb8;
	[tilespmem:$0x1FB80] =	vst v63  }
0xe5: {  	s6 =	simm.s32 @!p1 $0x4  }
0xe6: {  	_ =	swait.ge @!p1 [sflag:s6], $0x4000  }
0xe7: {  	[sflag:s6] =	ssyncset.done @!p1 $0x0  }
0xe8: {  	[sflag:s6] =	ssyncadd.s32 @!p1 $0xFFFFC000  }
0xe9: {  	[spmem:s2] =	stream.indirect.scatter.add.f32 @!p1 [tilespmem:s25], [sflag:$0xA], $0x80, s8, s10, $0xb8;
	[tilespmem:$0x1FB80] =	vst v63  }
0xea: {  	_ =	swait.ge @!p1 [sflag:s7], $0x4000  }
.Ltmp6:
0xeb: {  	s10 =	stileid.u32;
	[sflag:s7] =	ssyncset.done @!p1 $0x0;
	(pc) =	sbr.rel @!p2 .LBB2_11-.Ltmp6, $4  }
0xec: {  	s6 =	sshll.u32 s10, $0x6;
	[sflag:s7] =	ssyncadd.s32 @!p1 $0xFFFFC000  }
0xed: {  	s25 =	sshrl.u32 s5, $0x3;
	s7 =	sor.u32 $0x1C07, s6;
	[bflag:$0x0] =	sbarrier.arrive $0xFFFF  }
0xee: {  	[hbm:s9], [sflag:s7] =	dma.local [spmem:s25], $0x800  }
0xef: {  	s8 =	sadd.s32 $0xFFFFFFFF, s11;
	s10 =	sadd.s32 $0x40000, s5;
	s25 =	smov.u32 s9  }
.LBB2_10:
0xf0: {  	p3 =	sne.s32 s8, $0x1;
	s8 =	sadd.s32 $0xFFFFFFFF, s8  }
.Ltmp7:
0xf1: {  	s6 =	sshrl.u32 s10, $0x3;
	s25 =	sadd.s32 $0x8000, s25;
	(pc) =	sbr.rel @p3 .LBB2_10-.Ltmp7, $3  }
0xf2: {  	[hbm:s25], [sflag:s7] =	dma.local [spmem:s6], $0x800  }
0xf3: {  	_ =	sdelay $0x1  }
0xf4: {  	s10 =	sadd.s32 $0x40000, s10  }
.LBB2_11:
.Ltmp8:
0xf5: {  	(pc) =	sbr.rel @!p2 .LBB2_13-.Ltmp8, $3  }
0xf6: {  	_ =	sdelay $0x1  }
0xf7: {  	_ =	swait.ge [sflag:s30], $0x800  }
0xf8: {  	s7 =	sadd.s32 $0xFFFFFFFF, s11;
	[sflag:s30] =	ssyncset.done $0x0  }
.LBB2_12:
0xf9: {  	p2 =	sne.s32 s7, $0x1;
	s7 =	sadd.s32 $0xFFFFFFFF, s7;
	[sflag:s30] =	ssyncadd.s32 $0xFFFFF800  }
.Ltmp9:
0xfa: {  	(pc) =	sbr.rel @p2 .LBB2_12-.Ltmp9, $3  }
0xfb: {  	_ =	sdelay $0x1  }
0xfc: {  	_ =	swait.ge [sflag:s30], $0x800  }
0xfd: {  	[sflag:s30] =	ssyncset.done $0x0  }
.LBB2_13:
0xfe: {  	s6 =	rddreg [dreg:$0x7]  }
0xff: {  	[sflag:s30] =	ssyncadd.s32 $0xFFFFF800;
	s7 =	rddreg [dreg:$0x4]  }
0x100: {  	s8 =	simm.s32 @!p0 $0x1FCA;
	s6 =	sadd.s32 @!p0 $0x27000, s6;
	s7 =	sshrl.u32 @!p0 s7, $0x3  }
0x101: {  	[hbm:s6], [sflag:s8] =	dma.local @!p0 [spmem:s7], $0x100  }
0x102: {  	s6 =	simm.s32 @!p0 $0xA  }
0x103: {  	_ =	swait.ge @!p0 [sflag:s6], $0x100  }
0x104: {  	s4 =	sadd.s32 $0x1, s4;
	s25 =	rddreg [dreg:$0x8]  }
0x105: {  	p2 =	sne.s32 s4, s25  }
.Ltmp10:
0x106: {  	_ = 	snop;
	(pc) =	sbr.rel @p2 .LBB2_1-.Ltmp10, $3  }
0x107: {  	_ =	sdelay $0x1  }
0x108: {  	[sflag:s6] =	ssyncset.done @!p0 $0x0  }
0x109: {  	[sflag:s6] =	ssyncadd.s32 @!p0 $0xFFFFFF00  }
0x10a: {  	_ =	sfence.sel $0x180000  }
0x10b: {  	[bflag:$0x0] =	sbarrier.arrive $0xFFFF  }
0x10c: {  	_ =	strace $0x9000004A  }
0x10d: {  	s0 =	stileid.u32;
	[bflag:$0x2] =	sbarrier.arrive $0xFFFF  }
0x10e: {  	p0 =	sne.s32 s0, $0x0;
	s0 =	rddreg [dreg:$0x3]  }
0x10f: {  	s0 =	sadd.s32 @!p0 $0x100000, s0  }
0x110: {  	[sflag:s0] =	ssyncadd.tile.s32 @!p0 $0x1;
	_ =	shalt  }
.Lfunc_end2:
_tile_overlayer_lowered:
.L_overlay_start_2:
0x111: {  	(tag) =	ssettag $0x2  }
0x112: {  	s0 =	rddreg [dreg:$0x0];
	s2 =	stileid.u32  }
0x113: {  	s1 =	rddreg [dreg:$0x1];
	p0 =	sne.s32 s2, $0x0  }
0x114: {  	s3 =	rddreg [dreg:$0x2];
	[bflag:$0x3] =	sbarrier.arrive $0xFFFF;
	s2 =	simm.s32 @!p0 $0x1C0A  }
0x115: {  	[timem:s3], [sflag:s2] =	dma.local @!p0 [hbm:s0], s1  }
0x116: {  	s0 =	simm.s32 @!p0 $0xA  }
0x117: {  	_ =	swait.ge @!p0 [sflag:s0], s1  }
0x118: {  	s1 =	ssub.s32 @!p0 $0x0, s1;
	[sflag:s0] =	ssyncset.done @!p0 $0x0  }
0x119: {  	[sflag:s0] =	ssyncadd.s32 @!p0 s1  }
0x11a: {  	[bflag:$0x3] =	sbarrier.arrive $0xFFFF  }
0x11b: {  	_ =	shalt  }

</sc_bundles>
